<compile_context>
chip_gen: v7x
topology: tpu7x:2x2x1
jax: 0.10.2.dev20260603
libtpu: 0.0.44.dev20260713+nightly
codegen_flags: <defaults>
</compile_context>

<pallas_src>
import functools

import jax
import jax.numpy as jnp
from jax import lax
from jax.experimental import pallas as pl
from jax.experimental.pallas import tpu as pltpu
from jax.experimental.pallas import tpu_sc as plsc

N = 100000
D = 64
B = 16384
L = 16
NC = 2
NS = 16
NW = NC * NS
BPW = B // NW
CHUNK = 128
NCHUNK = BPW // CHUNK

_mesh = plsc.VectorSubcoreMesh(core_axis_name="c", subcore_axis_name="s")


@functools.partial(
    pl.kernel,
    out_type=jax.ShapeDtypeStruct((B,), jnp.int32),
    mesh=_mesh,
    compiler_params=pltpu.CompilerParams(needs_layout_passes=False),
    scratch_types=[
        pltpu.VMEM((N,), jnp.int32),
        pltpu.VMEM((B,), jnp.int32),
    ],
)
def _last_writer(idx_hbm, zeros_hbm, m_hbm, pos, xm):
    core = lax.axis_index("c")
    sub = lax.axis_index("s")

    @pl.when(jnp.logical_and(core == 0, sub == 0))
    def _():
        pltpu.sync_copy(zeros_hbm, pos)
        pltpu.sync_copy(idx_hbm, xm)
        lane = lax.iota(jnp.int32, L)

        def scatter_body(c, carry):
            x = xm[pl.ds(c * L, L)]
            j = lane + c * L
            plsc.store_scatter(pos, [x], j)
            r = plsc.load_gather(pos, [x])
            n0 = plsc.all_reduce_population_count(j > r)[0]

            def retry_cond(st):
                return st[0] > 0

            def retry_body(st):
                plsc.store_scatter(pos, [x], j, mask=j > st[1])
                r2 = plsc.load_gather(pos, [x])
                return (plsc.all_reduce_population_count(j > r2)[0], r2)

            lax.while_loop(retry_cond, retry_body, (n0, r))
            return carry

        lax.fori_loop(0, B // L, scatter_body, 0)

        def gather_body(c, carry):
            x = xm[pl.ds(c * L, L)]
            xm[pl.ds(c * L, L)] = plsc.load_gather(pos, [x])
            return carry

        lax.fori_loop(0, B // L, gather_body, 0)
        pltpu.sync_copy(xm, m_hbm)


@functools.partial(
    pl.kernel,
    out_type=tuple(jax.ShapeDtypeStruct((B, D), jnp.float32) for _ in range(5)),
    mesh=_mesh,
    compiler_params=pltpu.CompilerParams(
        needs_layout_passes=False, use_tc_tiling_on_sc=False),
    scratch_types=[
        pltpu.VMEM((NCHUNK, CHUNK), jnp.int32),
        pltpu.VMEM((CHUNK, D), jnp.float32),
        pltpu.VMEM((CHUNK, D), jnp.float32),
        pltpu.VMEM((CHUNK, D), jnp.float32),
        pltpu.VMEM((CHUNK, D), jnp.float32),
        pltpu.SemaphoreType.DMA,
        pltpu.SemaphoreType.DMA,
        pltpu.SemaphoreType.DMA,
        pltpu.SemaphoreType.DMA,
        pltpu.SemaphoreType.DMA,
        pltpu.SemaphoreType.DMA,
        pltpu.SemaphoreType.DMA,
        pltpu.SemaphoreType.DMA,
    ],
)
def _gather5(m_hbm, v1, v2, v3, v4, v5, o1, o2, o3, o4, o5,
             m_v, buf_a, buf_b, buf_c, buf_d,
             gsem_a, gsem_b, gsem_c, gsem_d,
             wsem_a, wsem_b, wsem_c, wsem_d):
    core = lax.axis_index("c")
    sub = lax.axis_index("s")
    wid = sub * NC + core
    base = wid * BPW

    mcp = [pltpu.async_copy(m_hbm.at[pl.ds(base + j * CHUNK, CHUNK)],
                            m_v.at[j], gsem_a) for j in range(NCHUNK)]
    for cp in mcp:
        cp.wait()

    vs = (v1, v2, v3, v4, v5)
    os_ = (o1, o2, o3, o4, o5)
    bufs = (buf_a, buf_b, buf_c, buf_d)
    gsems = (gsem_a, gsem_b, gsem_c, gsem_d)
    wsems = (wsem_a, wsem_b, wsem_c, wsem_d)
    steps = [(k, j) for k in range(5) for j in range(NCHUNK)]
    NB = 4

    def fire(t):
        k, j = steps[t]
        return pltpu.async_copy(vs[k].at[m_v.at[j]], bufs[t % NB],
                                gsems[t % NB])

    wcp = [None] * NB
    inflight = [fire(0), fire(1), fire(2)]
    for t in range(len(steps)):
        if t + 3 < len(steps):
            if wcp[(t + 3) % NB] is not None:
                wcp[(t + 3) % NB].wait()
            inflight.append(fire(t + 3))
        inflight[0].wait()
        inflight.pop(0)
        k, j = steps[t]
        wcp[t % NB] = pltpu.async_copy(
            bufs[t % NB], os_[k].at[pl.ds(base + j * CHUNK, CHUNK)],
            wsems[t % NB])
    for w in wcp:
        if w is not None:
            w.wait()


def kernel(nodes_memory, crowds_memory, interests_memory, categories_memory,
           brands_memory, values1, values2, values3, values4, values5,
           users_idxs):
    zeros = jnp.zeros((N,), jnp.int32)
    m = _last_writer(users_idxs, zeros)
    return _gather5(m, values1, values2, values3, values4, values5)

# --- scband reference (transcript-rebuilt; emitter-appended) ---
"""Pipeline reference for scband-memory-23012434772331 (READ-ONLY COPY).

The authoritative reference and input builder live on the scoring server;
editing this copy changes nothing except your own understanding.
"""

import jax, jax.numpy as jnp
import numpy as np
import math

N = 100000
D = 64
B = 16384

def setup_inputs(seed: int = 0) -> dict:
    key = jax.random.key(seed)
    ks = jax.random.split(key, 12)
    s = 1.0 / math.sqrt(D)
    inp = {
        'nodes_memory': jax.random.normal(ks[0], (N, D), dtype=jnp.float32) * s,
        'crowds_memory': jax.random.normal(ks[1], (N, D), dtype=jnp.float32) * s,
        'interests_memory': jax.random.normal(ks[2], (N, D), dtype=jnp.float32) * s,
        'categories_memory': jax.random.normal(ks[3], (N, D), dtype=jnp.float32) * s,
        'brands_memory': jax.random.normal(ks[4], (N, D), dtype=jnp.float32) * s,
        'values1': jax.random.normal(ks[5], (B, D), dtype=jnp.float32),
        'values2': jax.random.normal(ks[6], (B, D), dtype=jnp.float32),
        'values3': jax.random.normal(ks[7], (B, D), dtype=jnp.float32),
        'values4': jax.random.normal(ks[8], (B, D), dtype=jnp.float32),
        'values5': jax.random.normal(ks[9], (B, D), dtype=jnp.float32),
        'users_idxs': jax.random.randint(ks[10], (B,), 0, N, dtype=jnp.int32),
    }
    return inp

def reference(nodes_memory, crowds_memory, interests_memory, categories_memory, brands_memory, values1, values2, values3, values4, values5, users_idxs):
    # update_users_memory: scatter-overwrite into nodes_memory
    nodes_memory = nodes_memory.at[users_idxs].set(values1)
    # update_profiles_memory: scatter-overwrite into the four profile tables
    crowds_memory = crowds_memory.at[users_idxs].set(values2)
    interests_memory = interests_memory.at[users_idxs].set(values3)
    categories_memory = categories_memory.at[users_idxs].set(values4)
    brands_memory = brands_memory.at[users_idxs].set(values5)
    # get_nodes_memory + get_profiles_memory: gathers
    out_nodes = jnp.take(nodes_memory, users_idxs, axis=0)
    out_crowds = jnp.take(crowds_memory, users_idxs, axis=0)
    out_interests = jnp.take(interests_memory, users_idxs, axis=0)
    out_categories = jnp.take(categories_memory, users_idxs, axis=0)
    out_brands = jnp.take(brands_memory, users_idxs, axis=0)
    return (out_nodes, out_crowds, out_interests, out_categories, out_brands)

if __name__ == "__main__":
    import jax
    _d = setup_inputs()
    print(jax.jit(kernel)(*tuple(_d.values())))

</pallas_src>

<mosaic_0001>
#map = affine_map<(d0, d1) -> (0)>
module attributes {stable_mosaic.version = 14 : i64} {
  func.func @_last_writer(%arg0: i32, %arg1: i32, %arg2: memref<16384xi32, #tpu.memory_space<hbm>>, %arg3: memref<100000xi32, #tpu.memory_space<hbm>>, %arg4: memref<16384xi32, #tpu.memory_space<hbm>>, %arg5: memref<100000xi32, #tpu.memory_space<vmem>>, %arg6: memref<16384xi32, #tpu.memory_space<vmem>>) attributes {dimension_semantics = [#tpu.dimension_semantics<core_parallel>, #tpu.dimension_semantics<subcore_parallel>], iteration_bounds = array<i64: 2, 16>, scalar_prefetch = 0 : i64, scratch_operands = 2 : i64, tpu.core_type = #tpu.core_type<sc_vector_subcore>, window_params = [{transform_indices = #map}, {transform_indices = #map}, {transform_indices = #map}]} {
    %eq3A = arith.constant 0 : i32
    %eq3A_0 = arith.cmpi eq, %arg0, %eq3A : i32
    %eq3A_1 = arith.constant 0 : i32
    %eq3A_2 = arith.cmpi eq, %arg1, %eq3A_1 : i32
    %and3A = arith.andi %eq3A_0, %eq3A_2 : i1
    %convert_element_type3A = arith.extui %and3A : i1 to i32
    %cond3A = arith.constant 0 : i32
    %cond3A_3 = arith.cmpi ne, %convert_element_type3A, %cond3A : i32
    scf.if %cond3A_3 {
      "tpu.region"() ({
        %run_scoped3A = tpu.sem_alloc : memref<!tpu.dma_semaphore, #tpu.memory_space<semaphore_mem>>
        tpu.enqueue_dma source(%arg3 : memref<100000xi32, #tpu.memory_space<hbm>>) target(%arg5 : memref<100000xi32, #tpu.memory_space<vmem>>) target_semaphore(%run_scoped3A : memref<!tpu.dma_semaphore, #tpu.memory_space<semaphore_mem>>)
        tpu.wait_dma2 semaphore(%run_scoped3A : memref<!tpu.dma_semaphore, #tpu.memory_space<semaphore_mem>>) src(%arg3 : memref<100000xi32, #tpu.memory_space<hbm>>) dst(%arg5 : memref<100000xi32, #tpu.memory_space<vmem>>)
        tpu.yield
      }) : () -> ()
      "tpu.region"() ({
        %run_scoped3A = tpu.sem_alloc : memref<!tpu.dma_semaphore, #tpu.memory_space<semaphore_mem>>
        tpu.enqueue_dma source(%arg2 : memref<16384xi32, #tpu.memory_space<hbm>>) target(%arg6 : memref<16384xi32, #tpu.memory_space<vmem>>) target_semaphore(%run_scoped3A : memref<!tpu.dma_semaphore, #tpu.memory_space<semaphore_mem>>)
        tpu.wait_dma2 semaphore(%run_scoped3A : memref<!tpu.dma_semaphore, #tpu.memory_space<semaphore_mem>>) src(%arg2 : memref<16384xi32, #tpu.memory_space<hbm>>) dst(%arg6 : memref<16384xi32, #tpu.memory_space<vmem>>)
        tpu.yield
      }) : () -> ()
      %iota3A = tpu.iota {dimensions = array<i32: 0>} : vector<16xi32>
      %scan3A = arith.constant 0 : i32
      %scan3A_4 = arith.constant 0 : i32
      %scan3A_5 = arith.constant 1024 : i32
      %scan3A_6 = arith.addi %scan3A_4, %scan3A_5 : i32
      %scan3A_7 = arith.constant 1 : i32
      scf.for %scan3A_15 = %scan3A_4 to %scan3A_6 step %scan3A_7  : i32 {
        %mul3A = arith.constant 16 : i32
        %mul3A_16 = arith.muli %scan3A_15, %mul3A : i32
        %get3A = arith.index_cast %mul3A_16 : i32 to index
        %get3A_17 = tpu.vector_load %arg6[%get3A] {strides = array<i32>} : memref<16384xi32, #tpu.memory_space<vmem>>, vector<16xi32>,
        %mul3A_18 = arith.constant 16 : i32
        %mul3A_19 = arith.muli %scan3A_15, %mul3A_18 : i32
        %add3A = vector.broadcast %mul3A_19 : i32 to vector<16xi32>
        %add3A_20 = arith.addi %iota3A, %add3A : vector<16xi32>
        tpu.vector_store_idx %arg5[%get3A_17], %add3A_20 : memref<100000xi32, #tpu.memory_space<vmem>>[vector<16xi32>], vector<16xi32>,
        %gather3A = tpu.vector_load_idx %arg5[%get3A_17] : memref<100000xi32, #tpu.memory_space<vmem>>[vector<16xi32>], vector<16xi32>,
        %gt3A = arith.cmpi sgt, %add3A_20, %gather3A : vector<16xi32>
        %all_reduce_population_count3A = tpu.all_reduce %gt3A {dim = 0 : i64, kind = #tpu.reduction_kind<sum>} : vector<16xi1> -> vector<16xi32>
        %slice3A = vector.extract_strided_slice %all_reduce_population_count3A {offsets = [0], sizes = [1], strides = [1]} : vector<16xi32> to vector<1xi32>
        %squeeze3A = vector.extract %slice3A[0] : i32 from vector<1xi32>
        %while3A:2 = scf.while (%while3A_21 = %squeeze3A, %while3A_22 = %gather3A) : (i32, vector<16xi32>) -> (i32, vector<16xi32>) {
          %gt3A_23 = arith.constant 0 : i32
          %gt3A_24 = arith.cmpi sgt, %while3A_21, %gt3A_23 : i32
          scf.condition(%gt3A_24) %while3A_21, %while3A_22 : i32, vector<16xi32>
        } do {
        ^bb0(%while3A_21: i32, %while3A_22: vector<16xi32>):
          %gt3A_23 = arith.cmpi sgt, %add3A_20, %while3A_22 : vector<16xi32>
          tpu.vector_store_idx %arg5[%get3A_17], %add3A_20 masked %gt3A_23 : memref<100000xi32, #tpu.memory_space<vmem>>[vector<16xi32>], vector<16xi32>, vector<16xi1>
          %gather3A_24 = tpu.vector_load_idx %arg5[%get3A_17] : memref<100000xi32, #tpu.memory_space<vmem>>[vector<16xi32>], vector<16xi32>,
          %gt3A_25 = arith.cmpi sgt, %add3A_20, %gather3A_24 : vector<16xi32>
          %all_reduce_population_count3A_26 = tpu.all_reduce %gt3A_25 {dim = 0 : i64, kind = #tpu.reduction_kind<sum>} : vector<16xi1> -> vector<16xi32>
          %slice3A_27 = vector.extract_strided_slice %all_reduce_population_count3A_26 {offsets = [0], sizes = [1], strides = [1]} : vector<16xi32> to vector<1xi32>
          %squeeze3A_28 = vector.extract %slice3A_27[0] : i32 from vector<1xi32>
          scf.yield %squeeze3A_28, %gather3A_24 : i32, vector<16xi32>
        }
      }
      %scan3A_8 = arith.constant 1024 : i32
      %scan3A_9 = arith.constant 0 : i32
      %scan3A_10 = arith.constant 0 : i32
      %scan3A_11 = arith.constant 1024 : i32
      %scan3A_12 = arith.addi %scan3A_10, %scan3A_11 : i32
      %scan3A_13 = arith.constant 1 : i32
      scf.for %scan3A_15 = %scan3A_10 to %scan3A_12 step %scan3A_13  : i32 {
        %mul3A = arith.constant 16 : i32
        %mul3A_16 = arith.muli %scan3A_15, %mul3A : i32
        %get3A = arith.index_cast %mul3A_16 : i32 to index
        %get3A_17 = tpu.vector_load %arg6[%get3A] {strides = array<i32>} : memref<16384xi32, #tpu.memory_space<vmem>>, vector<16xi32>,
        %gather3A = tpu.vector_load_idx %arg5[%get3A_17] : memref<100000xi32, #tpu.memory_space<vmem>>[vector<16xi32>], vector<16xi32>,
        %mul3A_18 = arith.constant 16 : i32
        %mul3A_19 = arith.muli %scan3A_15, %mul3A_18 : i32
        %swap3A = arith.index_cast %mul3A_19 : i32 to index
        %swap3A_20 = tpu.vector_load %arg6[%swap3A] {strides = array<i32>} : memref<16384xi32, #tpu.memory_space<vmem>>, vector<16xi32>,
        tpu.vector_store %arg6[%swap3A], %gather3A {strides = array<i32>} : memref<16384xi32, #tpu.memory_space<vmem>>, vector<16xi32>,
      }
      %scan3A_14 = arith.constant 1024 : i32
      "tpu.region"() ({
        %run_scoped3A = tpu.sem_alloc : memref<!tpu.dma_semaphore, #tpu.memory_space<semaphore_mem>>
        tpu.enqueue_dma source(%arg6 : memref<16384xi32, #tpu.memory_space<vmem>>) target(%arg4 : memref<16384xi32, #tpu.memory_space<hbm>>) target_semaphore(%run_scoped3A : memref<!tpu.dma_semaphore, #tpu.memory_space<semaphore_mem>>)
        tpu.wait_dma2 semaphore(%run_scoped3A : memref<!tpu.dma_semaphore, #tpu.memory_space<semaphore_mem>>) src(%arg6 : memref<16384xi32, #tpu.memory_space<vmem>>) dst(%arg4 : memref<16384xi32, #tpu.memory_space<hbm>>)
        tpu.yield
      }) : () -> ()
    } else {
    }
    return
  }
}

#map = affine_map<(d0, d1) -> (0)>
#map1 = affine_map<(d0, d1) -> (0, 0)>
module attributes {stable_mosaic.version = 14 : i64} {
  func.func @_gather5(%arg0: i32, %arg1: i32, %arg2: memref<16384xi32, #tpu.memory_space<hbm>>, %arg3: memref<16384x64xf32, #tpu.memory_space<hbm>>, %arg4: memref<16384x64xf32, #tpu.memory_space<hbm>>, %arg5: memref<16384x64xf32, #tpu.memory_space<hbm>>, %arg6: memref<16384x64xf32, #tpu.memory_space<hbm>>, %arg7: memref<16384x64xf32, #tpu.memory_space<hbm>>, %arg8: memref<16384x64xf32, #tpu.memory_space<hbm>>, %arg9: memref<16384x64xf32, #tpu.memory_space<hbm>>, %arg10: memref<16384x64xf32, #tpu.memory_space<hbm>>, %arg11: memref<16384x64xf32, #tpu.memory_space<hbm>>, %arg12: memref<16384x64xf32, #tpu.memory_space<hbm>>, %arg13: memref<4x128xi32, #tpu.memory_space<vmem>>, %arg14: memref<128x64xf32, #tpu.memory_space<vmem>>, %arg15: memref<128x64xf32, #tpu.memory_space<vmem>>, %arg16: memref<128x64xf32, #tpu.memory_space<vmem>>, %arg17: memref<128x64xf32, #tpu.memory_space<vmem>>, %arg18: memref<!tpu.dma_semaphore, #tpu.memory_space<semaphore_mem>>, %arg19: memref<!tpu.dma_semaphore, #tpu.memory_space<semaphore_mem>>, %arg20: memref<!tpu.dma_semaphore, #tpu.memory_space<semaphore_mem>>, %arg21: memref<!tpu.dma_semaphore, #tpu.memory_space<semaphore_mem>>, %arg22: memref<!tpu.dma_semaphore, #tpu.memory_space<semaphore_mem>>, %arg23: memref<!tpu.dma_semaphore, #tpu.memory_space<semaphore_mem>>, %arg24: memref<!tpu.dma_semaphore, #tpu.memory_space<semaphore_mem>>, %arg25: memref<!tpu.dma_semaphore, #tpu.memory_space<semaphore_mem>>) attributes {dimension_semantics = [#tpu.dimension_semantics<core_parallel>, #tpu.dimension_semantics<subcore_parallel>], iteration_bounds = array<i64: 2, 16>, scalar_prefetch = 0 : i64, scratch_operands = 13 : i64, tpu.core_type = #tpu.core_type<sc_vector_subcore>, window_params = [{transform_indices = #map}, {transform_indices = #map1}, {transform_indices = #map1}, {transform_indices = #map1}, {transform_indices = #map1}, {transform_indices = #map1}, {transform_indices = #map1}, {transform_indices = #map1}, {transform_indices = #map1}, {transform_indices = #map1}, {transform_indices = #map1}]} {
    %mul3A = arith.constant 2 : i32
    %mul3A_0 = arith.muli %arg1, %mul3A : i32
    %add3A = arith.addi %mul3A_0, %arg0 : i32
    %mul3A_1 = arith.constant 512 : i32
    %mul3A_2 = arith.muli %add3A, %mul3A_1 : i32
    %add3A_3 = arith.constant 0 : i32
    %add3A_4 = arith.addi %mul3A_2, %add3A_3 : i32
    %dma_start3A = arith.constant 0 : i32
    %dma_start3A_5 = arith.constant 0 : i32
    %dma_start3A_6 = tpu.memref_slice %arg13[%dma_start3A, %dma_start3A_5] : memref<4x128xi32, #tpu.memory_space<vmem>> -> memref<1x128xi32, #tpu.memory_space<vmem>>
    %dma_start3A_7 = tpu.memref_squeeze %dma_start3A_6 : memref<1x128xi32, #tpu.memory_space<vmem>> -> memref<128xi32, #tpu.memory_space<vmem>>
    %dma_start3A_8 = tpu.memref_slice %arg2[%add3A_4] : memref<16384xi32, #tpu.memory_space<hbm>> -> memref<128xi32, #tpu.memory_space<hbm>>
    %dma_start3A_9 = arith.constant 0 : i32
    %dma_start3A_10 = tpu.memref_slice %arg13[%dma_start3A, %dma_start3A_9] : memref<4x128xi32, #tpu.memory_space<vmem>> -> memref<1x128xi32, #tpu.memory_space<vmem>>
    %dma_start3A_11 = tpu.memref_squeeze %dma_start3A_10 : memref<1x128xi32, #tpu.memory_space<vmem>> -> memref<128xi32, #tpu.memory_space<vmem>>
    %dma_start3A_12 = tpu.memref_slice %arg2[%add3A_4] : memref<16384xi32, #tpu.memory_space<hbm>> -> memref<128xi32, #tpu.memory_space<hbm>>
    tpu.enqueue_dma source(%dma_start3A_12 : memref<128xi32, #tpu.memory_space<hbm>>) target(%dma_start3A_11 : memref<128xi32, #tpu.memory_space<vmem>>) target_semaphore(%arg18 : memref<!tpu.dma_semaphore, #tpu.memory_space<semaphore_mem>>)
    %add3A_13 = arith.constant 128 : i32
    %add3A_14 = arith.addi %mul3A_2, %add3A_13 : i32
    %dma_start3A_15 = arith.constant 1 : i32
    %dma_start3A_16 = arith.constant 0 : i32
    %dma_start3A_17 = tpu.memref_slice %arg13[%dma_start3A_15, %dma_start3A_16] : memref<4x128xi32, #tpu.memory_space<vmem>> -> memref<1x128xi32, #tpu.memory_space<vmem>>
    %dma_start3A_18 = tpu.memref_squeeze %dma_start3A_17 : memref<1x128xi32, #tpu.memory_space<vmem>> -> memref<128xi32, #tpu.memory_space<vmem>>
    %dma_start3A_19 = tpu.memref_slice %arg2[%add3A_14] : memref<16384xi32, #tpu.memory_space<hbm>> -> memref<128xi32, #tpu.memory_space<hbm>>
    %dma_start3A_20 = arith.constant 0 : i32
    %dma_start3A_21 = tpu.memref_slice %arg13[%dma_start3A_15, %dma_start3A_20] : memref<4x128xi32, #tpu.memory_space<vmem>> -> memref<1x128xi32, #tpu.memory_space<vmem>>
    %dma_start3A_22 = tpu.memref_squeeze %dma_start3A_21 : memref<1x128xi32, #tpu.memory_space<vmem>> -> memref<128xi32, #tpu.memory_space<vmem>>
    %dma_start3A_23 = tpu.memref_slice %arg2[%add3A_14] : memref<16384xi32, #tpu.memory_space<hbm>> -> memref<128xi32, #tpu.memory_space<hbm>>
    tpu.enqueue_dma source(%dma_start3A_23 : memref<128xi32, #tpu.memory_space<hbm>>) target(%dma_start3A_22 : memref<128xi32, #tpu.memory_space<vmem>>) target_semaphore(%arg18 : memref<!tpu.dma_semaphore, #tpu.memory_space<semaphore_mem>>)
    %add3A_24 = arith.constant 256 : i32
    %add3A_25 = arith.addi %mul3A_2, %add3A_24 : i32
    %dma_start3A_26 = arith.constant 2 : i32
    %dma_start3A_27 = arith.constant 0 : i32
    %dma_start3A_28 = tpu.memref_slice %arg13[%dma_start3A_26, %dma_start3A_27] : memref<4x128xi32, #tpu.memory_space<vmem>> -> memref<1x128xi32, #tpu.memory_space<vmem>>
    %dma_start3A_29 = tpu.memref_squeeze %dma_start3A_28 : memref<1x128xi32, #tpu.memory_space<vmem>> -> memref<128xi32, #tpu.memory_space<vmem>>
    %dma_start3A_30 = tpu.memref_slice %arg2[%add3A_25] : memref<16384xi32, #tpu.memory_space<hbm>> -> memref<128xi32, #tpu.memory_space<hbm>>
    %dma_start3A_31 = arith.constant 0 : i32
    %dma_start3A_32 = tpu.memref_slice %arg13[%dma_start3A_26, %dma_start3A_31] : memref<4x128xi32, #tpu.memory_space<vmem>> -> memref<1x128xi32, #tpu.memory_space<vmem>>
    %dma_start3A_33 = tpu.memref_squeeze %dma_start3A_32 : memref<1x128xi32, #tpu.memory_space<vmem>> -> memref<128xi32, #tpu.memory_space<vmem>>
    %dma_start3A_34 = tpu.memref_slice %arg2[%add3A_25] : memref<16384xi32, #tpu.memory_space<hbm>> -> memref<128xi32, #tpu.memory_space<hbm>>
    tpu.enqueue_dma source(%dma_start3A_34 : memref<128xi32, #tpu.memory_space<hbm>>) target(%dma_start3A_33 : memref<128xi32, #tpu.memory_space<vmem>>) target_semaphore(%arg18 : memref<!tpu.dma_semaphore, #tpu.memory_space<semaphore_mem>>)
    %add3A_35 = arith.constant 384 : i32
    %add3A_36 = arith.addi %mul3A_2, %add3A_35 : i32
    %dma_start3A_37 = arith.constant 3 : i32
    %dma_start3A_38 = arith.constant 0 : i32
    %dma_start3A_39 = tpu.memref_slice %arg13[%dma_start3A_37, %dma_start3A_38] : memref<4x128xi32, #tpu.memory_space<vmem>> -> memref<1x128xi32, #tpu.memory_space<vmem>>
    %dma_start3A_40 = tpu.memref_squeeze %dma_start3A_39 : memref<1x128xi32, #tpu.memory_space<vmem>> -> memref<128xi32, #tpu.memory_space<vmem>>
    %dma_start3A_41 = tpu.memref_slice %arg2[%add3A_36] : memref<16384xi32, #tpu.memory_space<hbm>> -> memref<128xi32, #tpu.memory_space<hbm>>
    %dma_start3A_42 = arith.constant 0 : i32
    %dma_start3A_43 = tpu.memref_slice %arg13[%dma_start3A_37, %dma_start3A_42] : memref<4x128xi32, #tpu.memory_space<vmem>> -> memref<1x128xi32, #tpu.memory_space<vmem>>
    %dma_start3A_44 = tpu.memref_squeeze %dma_start3A_43 : memref<1x128xi32, #tpu.memory_space<vmem>> -> memref<128xi32, #tpu.memory_space<vmem>>
    %dma_start3A_45 = tpu.memref_slice %arg2[%add3A_36] : memref<16384xi32, #tpu.memory_space<hbm>> -> memref<128xi32, #tpu.memory_space<hbm>>
    tpu.enqueue_dma source(%dma_start3A_45 : memref<128xi32, #tpu.memory_space<hbm>>) target(%dma_start3A_44 : memref<128xi32, #tpu.memory_space<vmem>>) target_semaphore(%arg18 : memref<!tpu.dma_semaphore, #tpu.memory_space<semaphore_mem>>)
    %dma_wait3A = arith.constant 0 : i32
    %dma_wait3A_46 = arith.constant 0 : i32
    %dma_wait3A_47 = tpu.memref_slice %arg13[%dma_wait3A, %dma_wait3A_46] : memref<4x128xi32, #tpu.memory_space<vmem>> -> memref<1x128xi32, #tpu.memory_space<vmem>>
    %dma_wait3A_48 = tpu.memref_squeeze %dma_wait3A_47 : memref<1x128xi32, #tpu.memory_space<vmem>> -> memref<128xi32, #tpu.memory_space<vmem>>
    %dma_wait3A_49 = tpu.memref_slice %arg2[%add3A_4] : memref<16384xi32, #tpu.memory_space<hbm>> -> memref<128xi32, #tpu.memory_space<hbm>>
    %dma_wait3A_50 = arith.constant 0 : i32
    %dma_wait3A_51 = tpu.memref_slice %arg13[%dma_wait3A, %dma_wait3A_50] : memref<4x128xi32, #tpu.memory_space<vmem>> -> memref<1x128xi32, #tpu.memory_space<vmem>>
    %dma_wait3A_52 = tpu.memref_squeeze %dma_wait3A_51 : memref<1x128xi32, #tpu.memory_space<vmem>> -> memref<128xi32, #tpu.memory_space<vmem>>
    %dma_wait3A_53 = tpu.memref_slice %arg2[%add3A_4] : memref<16384xi32, #tpu.memory_space<hbm>> -> memref<128xi32, #tpu.memory_space<hbm>>
    tpu.wait_dma2 semaphore(%arg18 : memref<!tpu.dma_semaphore, #tpu.memory_space<semaphore_mem>>) src(%dma_wait3A_53 : memref<128xi32, #tpu.memory_space<hbm>>) dst(%dma_wait3A_52 : memref<128xi32, #tpu.memory_space<vmem>>)
    %dma_wait3A_54 = arith.constant 1 : i32
    %dma_wait3A_55 = arith.constant 0 : i32
    %dma_wait3A_56 = tpu.memref_slice %arg13[%dma_wait3A_54, %dma_wait3A_55] : memref<4x128xi32, #tpu.memory_space<vmem>> -> memref<1x128xi32, #tpu.memory_space<vmem>>
    %dma_wait3A_57 = tpu.memref_squeeze %dma_wait3A_56 : memref<1x128xi32, #tpu.memory_space<vmem>> -> memref<128xi32, #tpu.memory_space<vmem>>
    %dma_wait3A_58 = tpu.memref_slice %arg2[%add3A_14] : memref<16384xi32, #tpu.memory_space<hbm>> -> memref<128xi32, #tpu.memory_space<hbm>>
    %dma_wait3A_59 = arith.constant 0 : i32
    %dma_wait3A_60 = tpu.memref_slice %arg13[%dma_wait3A_54, %dma_wait3A_59] : memref<4x128xi32, #tpu.memory_space<vmem>> -> memref<1x128xi32, #tpu.memory_space<vmem>>
    %dma_wait3A_61 = tpu.memref_squeeze %dma_wait3A_60 : memref<1x128xi32, #tpu.memory_space<vmem>> -> memref<128xi32, #tpu.memory_space<vmem>>
    %dma_wait3A_62 = tpu.memref_slice %arg2[%add3A_14] : memref<16384xi32, #tpu.memory_space<hbm>> -> memref<128xi32, #tpu.memory_space<hbm>>
    tpu.wait_dma2 semaphore(%arg18 : memref<!tpu.dma_semaphore, #tpu.memory_space<semaphore_mem>>) src(%dma_wait3A_62 : memref<128xi32, #tpu.memory_space<hbm>>) dst(%dma_wait3A_61 : memref<128xi32, #tpu.memory_space<vmem>>)
    %dma_wait3A_63 = arith.constant 2 : i32
    %dma_wait3A_64 = arith.constant 0 : i32
    %dma_wait3A_65 = tpu.memref_slice %arg13[%dma_wait3A_63, %dma_wait3A_64] : memref<4x128xi32, #tpu.memory_space<vmem>> -> memref<1x128xi32, #tpu.memory_space<vmem>>
    %dma_wait3A_66 = tpu.memref_squeeze %dma_wait3A_65 : memref<1x128xi32, #tpu.memory_space<vmem>> -> memref<128xi32, #tpu.memory_space<vmem>>
    %dma_wait3A_67 = tpu.memref_slice %arg2[%add3A_25] : memref<16384xi32, #tpu.memory_space<hbm>> -> memref<128xi32, #tpu.memory_space<hbm>>
    %dma_wait3A_68 = arith.constant 0 : i32
    %dma_wait3A_69 = tpu.memref_slice %arg13[%dma_wait3A_63, %dma_wait3A_68] : memref<4x128xi32, #tpu.memory_space<vmem>> -> memref<1x128xi32, #tpu.memory_space<vmem>>
    %dma_wait3A_70 = tpu.memref_squeeze %dma_wait3A_69 : memref<1x128xi32, #tpu.memory_space<vmem>> -> memref<128xi32, #tpu.memory_space<vmem>>
    %dma_wait3A_71 = tpu.memref_slice %arg2[%add3A_25] : memref<16384xi32, #tpu.memory_space<hbm>> -> memref<128xi32, #tpu.memory_space<hbm>>
    tpu.wait_dma2 semaphore(%arg18 : memref<!tpu.dma_semaphore, #tpu.memory_space<semaphore_mem>>) src(%dma_wait3A_71 : memref<128xi32, #tpu.memory_space<hbm>>) dst(%dma_wait3A_70 : memref<128xi32, #tpu.memory_space<vmem>>)
    %dma_wait3A_72 = arith.constant 3 : i32
    %dma_wait3A_73 = arith.constant 0 : i32
    %dma_wait3A_74 = tpu.memref_slice %arg13[%dma_wait3A_72, %dma_wait3A_73] : memref<4x128xi32, #tpu.memory_space<vmem>> -> memref<1x128xi32, #tpu.memory_space<vmem>>
    %dma_wait3A_75 = tpu.memref_squeeze %dma_wait3A_74 : memref<1x128xi32, #tpu.memory_space<vmem>> -> memref<128xi32, #tpu.memory_space<vmem>>
    %dma_wait3A_76 = tpu.memref_slice %arg2[%add3A_36] : memref<16384xi32, #tpu.memory_space<hbm>> -> memref<128xi32, #tpu.memory_space<hbm>>
    %dma_wait3A_77 = arith.constant 0 : i32
    %dma_wait3A_78 = tpu.memref_slice %arg13[%dma_wait3A_72, %dma_wait3A_77] : memref<4x128xi32, #tpu.memory_space<vmem>> -> memref<1x128xi32, #tpu.memory_space<vmem>>
    %dma_wait3A_79 = tpu.memref_squeeze %dma_wait3A_78 : memref<1x128xi32, #tpu.memory_space<vmem>> -> memref<128xi32, #tpu.memory_space<vmem>>
    %dma_wait3A_80 = tpu.memref_slice %arg2[%add3A_36] : memref<16384xi32, #tpu.memory_space<hbm>> -> memref<128xi32, #tpu.memory_space<hbm>>
    tpu.wait_dma2 semaphore(%arg18 : memref<!tpu.dma_semaphore, #tpu.memory_space<semaphore_mem>>) src(%dma_wait3A_80 : memref<128xi32, #tpu.memory_space<hbm>>) dst(%dma_wait3A_79 : memref<128xi32, #tpu.memory_space<vmem>>)
    %dma_start3A_81 = arith.constant 0 : i32
    %dma_start3A_82 = arith.constant 0 : i32
    %dma_start3A_83 = tpu.memref_slice %arg13[%dma_start3A_81, %dma_start3A_82] : memref<4x128xi32, #tpu.memory_space<vmem>> -> memref<1x128xi32, #tpu.memory_space<vmem>>
    %dma_start3A_84 = tpu.memref_squeeze %dma_start3A_83 : memref<1x128xi32, #tpu.memory_space<vmem>> -> memref<128xi32, #tpu.memory_space<vmem>>
    %dma_start3A_85 = arith.constant 0 : i32
    %dma_start3A_86 = arith.constant 0 : i32
    %dma_start3A_87 = tpu.memref_slice %arg3[%dma_start3A_85, %dma_start3A_86] : memref<16384x64xf32, #tpu.memory_space<hbm>> -> memref<16384x64xf32, #tpu.memory_space<hbm>>
    tpu.enqueue_indirect_dma source(%dma_start3A_87 : memref<16384x64xf32, #tpu.memory_space<hbm>>) target(%arg14 : memref<128x64xf32, #tpu.memory_space<vmem>>) offsets(%dma_start3A_84 : memref<128xi32, #tpu.memory_space<vmem>>) semaphore(%arg18 : memref<!tpu.dma_semaphore, #tpu.memory_space<semaphore_mem>>)
    %dma_start3A_88 = arith.constant 1 : i32
    %dma_start3A_89 = arith.constant 0 : i32
    %dma_start3A_90 = tpu.memref_slice %arg13[%dma_start3A_88, %dma_start3A_89] : memref<4x128xi32, #tpu.memory_space<vmem>> -> memref<1x128xi32, #tpu.memory_space<vmem>>
    %dma_start3A_91 = tpu.memref_squeeze %dma_start3A_90 : memref<1x128xi32, #tpu.memory_space<vmem>> -> memref<128xi32, #tpu.memory_space<vmem>>
    %dma_start3A_92 = arith.constant 0 : i32
    %dma_start3A_93 = arith.constant 0 : i32
    %dma_start3A_94 = tpu.memref_slice %arg3[%dma_start3A_92, %dma_start3A_93] : memref<16384x64xf32, #tpu.memory_space<hbm>> -> memref<16384x64xf32, #tpu.memory_space<hbm>>
    tpu.enqueue_indirect_dma source(%dma_start3A_94 : memref<16384x64xf32, #tpu.memory_space<hbm>>) target(%arg15 : memref<128x64xf32, #tpu.memory_space<vmem>>) offsets(%dma_start3A_91 : memref<128xi32, #tpu.memory_space<vmem>>) semaphore(%arg19 : memref<!tpu.dma_semaphore, #tpu.memory_space<semaphore_mem>>)
    %dma_start3A_95 = arith.constant 2 : i32
    %dma_start3A_96 = arith.constant 0 : i32
    %dma_start3A_97 = tpu.memref_slice %arg13[%dma_start3A_95, %dma_start3A_96] : memref<4x128xi32, #tpu.memory_space<vmem>> -> memref<1x128xi32, #tpu.memory_space<vmem>>
    %dma_start3A_98 = tpu.memref_squeeze %dma_start3A_97 : memref<1x128xi32, #tpu.memory_space<vmem>> -> memref<128xi32, #tpu.memory_space<vmem>>
    %dma_start3A_99 = arith.constant 0 : i32
    %dma_start3A_100 = arith.constant 0 : i32
    %dma_start3A_101 = tpu.memref_slice %arg3[%dma_start3A_99, %dma_start3A_100] : memref<16384x64xf32, #tpu.memory_space<hbm>> -> memref<16384x64xf32, #tpu.memory_space<hbm>>
    tpu.enqueue_indirect_dma source(%dma_start3A_101 : memref<16384x64xf32, #tpu.memory_space<hbm>>) target(%arg16 : memref<128x64xf32, #tpu.memory_space<vmem>>) offsets(%dma_start3A_98 : memref<128xi32, #tpu.memory_space<vmem>>) semaphore(%arg20 : memref<!tpu.dma_semaphore, #tpu.memory_space<semaphore_mem>>)
    %dma_start3A_102 = arith.constant 3 : i32
    %dma_start3A_103 = arith.constant 0 : i32
    %dma_start3A_104 = tpu.memref_slice %arg13[%dma_start3A_102, %dma_start3A_103] : memref<4x128xi32, #tpu.memory_space<vmem>> -> memref<1x128xi32, #tpu.memory_space<vmem>>
    %dma_start3A_105 = tpu.memref_squeeze %dma_start3A_104 : memref<1x128xi32, #tpu.memory_space<vmem>> -> memref<128xi32, #tpu.memory_space<vmem>>
    %dma_start3A_106 = arith.constant 0 : i32
    %dma_start3A_107 = arith.constant 0 : i32
    %dma_start3A_108 = tpu.memref_slice %arg3[%dma_start3A_106, %dma_start3A_107] : memref<16384x64xf32, #tpu.memory_space<hbm>> -> memref<16384x64xf32, #tpu.memory_space<hbm>>
    tpu.enqueue_indirect_dma source(%dma_start3A_108 : memref<16384x64xf32, #tpu.memory_space<hbm>>) target(%arg17 : memref<128x64xf32, #tpu.memory_space<vmem>>) offsets(%dma_start3A_105 : memref<128xi32, #tpu.memory_space<vmem>>) semaphore(%arg21 : memref<!tpu.dma_semaphore, #tpu.memory_space<semaphore_mem>>)
    %dma_wait3A_109 = arith.constant 0 : i32
    %dma_wait3A_110 = arith.constant 0 : i32
    %dma_wait3A_111 = tpu.memref_slice %arg13[%dma_wait3A_109, %dma_wait3A_110] : memref<4x128xi32, #tpu.memory_space<vmem>> -> memref<1x128xi32, #tpu.memory_space<vmem>>
    %dma_wait3A_112 = tpu.memref_squeeze %dma_wait3A_111 : memref<1x128xi32, #tpu.memory_space<vmem>> -> memref<128xi32, #tpu.memory_space<vmem>>
    %dma_wait3A_113 = arith.constant 0 : i32
    %dma_wait3A_114 = arith.constant 0 : i32
    %dma_wait3A_115 = tpu.memref_slice %arg3[%dma_wait3A_113, %dma_wait3A_114] : memref<16384x64xf32, #tpu.memory_space<hbm>> -> memref<16384x64xf32, #tpu.memory_space<hbm>>
    tpu.wait_indirect_dma semaphore(%arg18 : memref<!tpu.dma_semaphore, #tpu.memory_space<semaphore_mem>>) src(%dma_wait3A_115 : memref<16384x64xf32, #tpu.memory_space<hbm>>) dst(%arg14 : memref<128x64xf32, #tpu.memory_space<vmem>>)
    %add3A_116 = arith.constant 0 : i32
    %add3A_117 = arith.addi %mul3A_2, %add3A_116 : i32
    %dma_start3A_118 = arith.constant 0 : i32
    %dma_start3A_119 = tpu.memref_slice %arg8[%add3A_117, %dma_start3A_118] : memref<16384x64xf32, #tpu.memory_space<hbm>> -> memref<128x64xf32, #tpu.memory_space<hbm>>
    %dma_start3A_120 = arith.constant 0 : i32
    %dma_start3A_121 = tpu.memref_slice %arg8[%add3A_117, %dma_start3A_120] : memref<16384x64xf32, #tpu.memory_space<hbm>> -> memref<128x64xf32, #tpu.memory_space<hbm>>
    tpu.enqueue_dma source(%arg14 : memref<128x64xf32, #tpu.memory_space<vmem>>) target(%dma_start3A_121 : memref<128x64xf32, #tpu.memory_space<hbm>>) target_semaphore(%arg22 : memref<!tpu.dma_semaphore, #tpu.memory_space<semaphore_mem>>)
    %dma_wait3A_122 = arith.constant 0 : i32
    %dma_wait3A_123 = tpu.memref_slice %arg8[%add3A_117, %dma_wait3A_122] : memref<16384x64xf32, #tpu.memory_space<hbm>> -> memref<128x64xf32, #tpu.memory_space<hbm>>
    %dma_wait3A_124 = arith.constant 0 : i32
    %dma_wait3A_125 = tpu.memref_slice %arg8[%add3A_117, %dma_wait3A_124] : memref<16384x64xf32, #tpu.memory_space<hbm>> -> memref<128x64xf32, #tpu.memory_space<hbm>>
    tpu.wait_dma2 semaphore(%arg22 : memref<!tpu.dma_semaphore, #tpu.memory_space<semaphore_mem>>) src(%arg14 : memref<128x64xf32, #tpu.memory_space<vmem>>) dst(%dma_wait3A_125 : memref<128x64xf32, #tpu.memory_space<hbm>>)
    %dma_start3A_126 = arith.constant 0 : i32
    %dma_start3A_127 = arith.constant 0 : i32
    %dma_start3A_128 = tpu.memref_slice %arg13[%dma_start3A_126, %dma_start3A_127] : memref<4x128xi32, #tpu.memory_space<vmem>> -> memref<1x128xi32, #tpu.memory_space<vmem>>
    %dma_start3A_129 = tpu.memref_squeeze %dma_start3A_128 : memref<1x128xi32, #tpu.memory_space<vmem>> -> memref<128xi32, #tpu.memory_space<vmem>>
    %dma_start3A_130 = arith.constant 0 : i32
    %dma_start3A_131 = arith.constant 0 : i32
    %dma_start3A_132 = tpu.memref_slice %arg4[%dma_start3A_130, %dma_start3A_131] : memref<16384x64xf32, #tpu.memory_space<hbm>> -> memref<16384x64xf32, #tpu.memory_space<hbm>>
    tpu.enqueue_indirect_dma source(%dma_start3A_132 : memref<16384x64xf32, #tpu.memory_space<hbm>>) target(%arg14 : memref<128x64xf32, #tpu.memory_space<vmem>>) offsets(%dma_start3A_129 : memref<128xi32, #tpu.memory_space<vmem>>) semaphore(%arg18 : memref<!tpu.dma_semaphore, #tpu.memory_space<semaphore_mem>>)
    %dma_wait3A_133 = arith.constant 1 : i32
    %dma_wait3A_134 = arith.constant 0 : i32
    %dma_wait3A_135 = tpu.memref_slice %arg13[%dma_wait3A_133, %dma_wait3A_134] : memref<4x128xi32, #tpu.memory_space<vmem>> -> memref<1x128xi32, #tpu.memory_space<vmem>>
    %dma_wait3A_136 = tpu.memref_squeeze %dma_wait3A_135 : memref<1x128xi32, #tpu.memory_space<vmem>> -> memref<128xi32, #tpu.memory_space<vmem>>
    %dma_wait3A_137 = arith.constant 0 : i32
    %dma_wait3A_138 = arith.constant 0 : i32
    %dma_wait3A_139 = tpu.memref_slice %arg3[%dma_wait3A_137, %dma_wait3A_138] : memref<16384x64xf32, #tpu.memory_space<hbm>> -> memref<16384x64xf32, #tpu.memory_space<hbm>>
    tpu.wait_indirect_dma semaphore(%arg19 : memref<!tpu.dma_semaphore, #tpu.memory_space<semaphore_mem>>) src(%dma_wait3A_139 : memref<16384x64xf32, #tpu.memory_space<hbm>>) dst(%arg15 : memref<128x64xf32, #tpu.memory_space<vmem>>)
    %add3A_140 = arith.constant 128 : i32
    %add3A_141 = arith.addi %mul3A_2, %add3A_140 : i32
    %dma_start3A_142 = arith.constant 0 : i32
    %dma_start3A_143 = tpu.memref_slice %arg8[%add3A_141, %dma_start3A_142] : memref<16384x64xf32, #tpu.memory_space<hbm>> -> memref<128x64xf32, #tpu.memory_space<hbm>>
    %dma_start3A_144 = arith.constant 0 : i32
    %dma_start3A_145 = tpu.memref_slice %arg8[%add3A_141, %dma_start3A_144] : memref<16384x64xf32, #tpu.memory_space<hbm>> -> memref<128x64xf32, #tpu.memory_space<hbm>>
    tpu.enqueue_dma source(%arg15 : memref<128x64xf32, #tpu.memory_space<vmem>>) target(%dma_start3A_145 : memref<128x64xf32, #tpu.memory_space<hbm>>) target_semaphore(%arg23 : memref<!tpu.dma_semaphore, #tpu.memory_space<semaphore_mem>>)
    %dma_wait3A_146 = arith.constant 0 : i32
    %dma_wait3A_147 = tpu.memref_slice %arg8[%add3A_141, %dma_wait3A_146] : memref<16384x64xf32, #tpu.memory_space<hbm>> -> memref<128x64xf32, #tpu.memory_space<hbm>>
    %dma_wait3A_148 = arith.constant 0 : i32
    %dma_wait3A_149 = tpu.memref_slice %arg8[%add3A_141, %dma_wait3A_148] : memref<16384x64xf32, #tpu.memory_space<hbm>> -> memref<128x64xf32, #tpu.memory_space<hbm>>
    tpu.wait_dma2 semaphore(%arg23 : memref<!tpu.dma_semaphore, #tpu.memory_space<semaphore_mem>>) src(%arg15 : memref<128x64xf32, #tpu.memory_space<vmem>>) dst(%dma_wait3A_149 : memref<128x64xf32, #tpu.memory_space<hbm>>)
    %dma_start3A_150 = arith.constant 1 : i32
    %dma_start3A_151 = arith.constant 0 : i32
    %dma_start3A_152 = tpu.memref_slice %arg13[%dma_start3A_150, %dma_start3A_151] : memref<4x128xi32, #tpu.memory_space<vmem>> -> memref<1x128xi32, #tpu.memory_space<vmem>>
    %dma_start3A_153 = tpu.memref_squeeze %dma_start3A_152 : memref<1x128xi32, #tpu.memory_space<vmem>> -> memref<128xi32, #tpu.memory_space<vmem>>
    %dma_start3A_154 = arith.constant 0 : i32
    %dma_start3A_155 = arith.constant 0 : i32
    %dma_start3A_156 = tpu.memref_slice %arg4[%dma_start3A_154, %dma_start3A_155] : memref<16384x64xf32, #tpu.memory_space<hbm>> -> memref<16384x64xf32, #tpu.memory_space<hbm>>
    tpu.enqueue_indirect_dma source(%dma_start3A_156 : memref<16384x64xf32, #tpu.memory_space<hbm>>) target(%arg15 : memref<128x64xf32, #tpu.memory_space<vmem>>) offsets(%dma_start3A_153 : memref<128xi32, #tpu.memory_space<vmem>>) semaphore(%arg19 : memref<!tpu.dma_semaphore, #tpu.memory_space<semaphore_mem>>)
    %dma_wait3A_157 = arith.constant 2 : i32
    %dma_wait3A_158 = arith.constant 0 : i32
    %dma_wait3A_159 = tpu.memref_slice %arg13[%dma_wait3A_157, %dma_wait3A_158] : memref<4x128xi32, #tpu.memory_space<vmem>> -> memref<1x128xi32, #tpu.memory_space<vmem>>
    %dma_wait3A_160 = tpu.memref_squeeze %dma_wait3A_159 : memref<1x128xi32, #tpu.memory_space<vmem>> -> memref<128xi32, #tpu.memory_space<vmem>>
    %dma_wait3A_161 = arith.constant 0 : i32
    %dma_wait3A_162 = arith.constant 0 : i32
    %dma_wait3A_163 = tpu.memref_slice %arg3[%dma_wait3A_161, %dma_wait3A_162] : memref<16384x64xf32, #tpu.memory_space<hbm>> -> memref<16384x64xf32, #tpu.memory_space<hbm>>
    tpu.wait_indirect_dma semaphore(%arg20 : memref<!tpu.dma_semaphore, #tpu.memory_space<semaphore_mem>>) src(%dma_wait3A_163 : memref<16384x64xf32, #tpu.memory_space<hbm>>) dst(%arg16 : memref<128x64xf32, #tpu.memory_space<vmem>>)
    %add3A_164 = arith.constant 256 : i32
    %add3A_165 = arith.addi %mul3A_2, %add3A_164 : i32
    %dma_start3A_166 = arith.constant 0 : i32
    %dma_start3A_167 = tpu.memref_slice %arg8[%add3A_165, %dma_start3A_166] : memref<16384x64xf32, #tpu.memory_space<hbm>> -> memref<128x64xf32, #tpu.memory_space<hbm>>
    %dma_start3A_168 = arith.constant 0 : i32
    %dma_start3A_169 = tpu.memref_slice %arg8[%add3A_165, %dma_start3A_168] : memref<16384x64xf32, #tpu.memory_space<hbm>> -> memref<128x64xf32, #tpu.memory_space<hbm>>
    tpu.enqueue_dma source(%arg16 : memref<128x64xf32, #tpu.memory_space<vmem>>) target(%dma_start3A_169 : memref<128x64xf32, #tpu.memory_space<hbm>>) target_semaphore(%arg24 : memref<!tpu.dma_semaphore, #tpu.memory_space<semaphore_mem>>)
    %dma_wait3A_170 = arith.constant 0 : i32
    %dma_wait3A_171 = tpu.memref_slice %arg8[%add3A_165, %dma_wait3A_170] : memref<16384x64xf32, #tpu.memory_space<hbm>> -> memref<128x64xf32, #tpu.memory_space<hbm>>
    %dma_wait3A_172 = arith.constant 0 : i32
    %dma_wait3A_173 = tpu.memref_slice %arg8[%add3A_165, %dma_wait3A_172] : memref<16384x64xf32, #tpu.memory_space<hbm>> -> memref<128x64xf32, #tpu.memory_space<hbm>>
    tpu.wait_dma2 semaphore(%arg24 : memref<!tpu.dma_semaphore, #tpu.memory_space<semaphore_mem>>) src(%arg16 : memref<128x64xf32, #tpu.memory_space<vmem>>) dst(%dma_wait3A_173 : memref<128x64xf32, #tpu.memory_space<hbm>>)
    %dma_start3A_174 = arith.constant 2 : i32
    %dma_start3A_175 = arith.constant 0 : i32
    %dma_start3A_176 = tpu.memref_slice %arg13[%dma_start3A_174, %dma_start3A_175] : memref<4x128xi32, #tpu.memory_space<vmem>> -> memref<1x128xi32, #tpu.memory_space<vmem>>
    %dma_start3A_177 = tpu.memref_squeeze %dma_start3A_176 : memref<1x128xi32, #tpu.memory_space<vmem>> -> memref<128xi32, #tpu.memory_space<vmem>>
    %dma_start3A_178 = arith.constant 0 : i32
    %dma_start3A_179 = arith.constant 0 : i32
    %dma_start3A_180 = tpu.memref_slice %arg4[%dma_start3A_178, %dma_start3A_179] : memref<16384x64xf32, #tpu.memory_space<hbm>> -> memref<16384x64xf32, #tpu.memory_space<hbm>>
    tpu.enqueue_indirect_dma source(%dma_start3A_180 : memref<16384x64xf32, #tpu.memory_space<hbm>>) target(%arg16 : memref<128x64xf32, #tpu.memory_space<vmem>>) offsets(%dma_start3A_177 : memref<128xi32, #tpu.memory_space<vmem>>) semaphore(%arg20 : memref<!tpu.dma_semaphore, #tpu.memory_space<semaphore_mem>>)
    %dma_wait3A_181 = arith.constant 3 : i32
    %dma_wait3A_182 = arith.constant 0 : i32
    %dma_wait3A_183 = tpu.memref_slice %arg13[%dma_wait3A_181, %dma_wait3A_182] : memref<4x128xi32, #tpu.memory_space<vmem>> -> memref<1x128xi32, #tpu.memory_space<vmem>>
    %dma_wait3A_184 = tpu.memref_squeeze %dma_wait3A_183 : memref<1x128xi32, #tpu.memory_space<vmem>> -> memref<128xi32, #tpu.memory_space<vmem>>
    %dma_wait3A_185 = arith.constant 0 : i32
    %dma_wait3A_186 = arith.constant 0 : i32
    %dma_wait3A_187 = tpu.memref_slice %arg3[%dma_wait3A_185, %dma_wait3A_186] : memref<16384x64xf32, #tpu.memory_space<hbm>> -> memref<16384x64xf32, #tpu.memory_space<hbm>>
    tpu.wait_indirect_dma semaphore(%arg21 : memref<!tpu.dma_semaphore, #tpu.memory_space<semaphore_mem>>) src(%dma_wait3A_187 : memref<16384x64xf32, #tpu.memory_space<hbm>>) dst(%arg17 : memref<128x64xf32, #tpu.memory_space<vmem>>)
    %add3A_188 = arith.constant 384 : i32
    %add3A_189 = arith.addi %mul3A_2, %add3A_188 : i32
    %dma_start3A_190 = arith.constant 0 : i32
    %dma_start3A_191 = tpu.memref_slice %arg8[%add3A_189, %dma_start3A_190] : memref<16384x64xf32, #tpu.memory_space<hbm>> -> memref<128x64xf32, #tpu.memory_space<hbm>>
    %dma_start3A_192 = arith.constant 0 : i32
    %dma_start3A_193 = tpu.memref_slice %arg8[%add3A_189, %dma_start3A_192] : memref<16384x64xf32, #tpu.memory_space<hbm>> -> memref<128x64xf32, #tpu.memory_space<hbm>>
    tpu.enqueue_dma source(%arg17 : memref<128x64xf32, #tpu.memory_space<vmem>>) target(%dma_start3A_193 : memref<128x64xf32, #tpu.memory_space<hbm>>) target_semaphore(%arg25 : memref<!tpu.dma_semaphore, #tpu.memory_space<semaphore_mem>>)
    %dma_wait3A_194 = arith.constant 0 : i32
    %dma_wait3A_195 = tpu.memref_slice %arg8[%add3A_189, %dma_wait3A_194] : memref<16384x64xf32, #tpu.memory_space<hbm>> -> memref<128x64xf32, #tpu.memory_space<hbm>>
    %dma_wait3A_196 = arith.constant 0 : i32
    %dma_wait3A_197 = tpu.memref_slice %arg8[%add3A_189, %dma_wait3A_196] : memref<16384x64xf32, #tpu.memory_space<hbm>> -> memref<128x64xf32, #tpu.memory_space<hbm>>
    tpu.wait_dma2 semaphore(%arg25 : memref<!tpu.dma_semaphore, #tpu.memory_space<semaphore_mem>>) src(%arg17 : memref<128x64xf32, #tpu.memory_space<vmem>>) dst(%dma_wait3A_197 : memref<128x64xf32, #tpu.memory_space<hbm>>)
    %dma_start3A_198 = arith.constant 3 : i32
    %dma_start3A_199 = arith.constant 0 : i32
    %dma_start3A_200 = tpu.memref_slice %arg13[%dma_start3A_198, %dma_start3A_199] : memref<4x128xi32, #tpu.memory_space<vmem>> -> memref<1x128xi32, #tpu.memory_space<vmem>>
    %dma_start3A_201 = tpu.memref_squeeze %dma_start3A_200 : memref<1x128xi32, #tpu.memory_space<vmem>> -> memref<128xi32, #tpu.memory_space<vmem>>
    %dma_start3A_202 = arith.constant 0 : i32
    %dma_start3A_203 = arith.constant 0 : i32
    %dma_start3A_204 = tpu.memref_slice %arg4[%dma_start3A_202, %dma_start3A_203] : memref<16384x64xf32, #tpu.memory_space<hbm>> -> memref<16384x64xf32, #tpu.memory_space<hbm>>
    tpu.enqueue_indirect_dma source(%dma_start3A_204 : memref<16384x64xf32, #tpu.memory_space<hbm>>) target(%arg17 : memref<128x64xf32, #tpu.memory_space<vmem>>) offsets(%dma_start3A_201 : memref<128xi32, #tpu.memory_space<vmem>>) semaphore(%arg21 : memref<!tpu.dma_semaphore, #tpu.memory_space<semaphore_mem>>)
    %dma_wait3A_205 = arith.constant 0 : i32
    %dma_wait3A_206 = arith.constant 0 : i32
    %dma_wait3A_207 = tpu.memref_slice %arg13[%dma_wait3A_205, %dma_wait3A_206] : memref<4x128xi32, #tpu.memory_space<vmem>> -> memref<1x128xi32, #tpu.memory_space<vmem>>
    %dma_wait3A_208 = tpu.memref_squeeze %dma_wait3A_207 : memref<1x128xi32, #tpu.memory_space<vmem>> -> memref<128xi32, #tpu.memory_space<vmem>>
    %dma_wait3A_209 = arith.constant 0 : i32
    %dma_wait3A_210 = arith.constant 0 : i32
    %dma_wait3A_211 = tpu.memref_slice %arg4[%dma_wait3A_209, %dma_wait3A_210] : memref<16384x64xf32, #tpu.memory_space<hbm>> -> memref<16384x64xf32, #tpu.memory_space<hbm>>
    tpu.wait_indirect_dma semaphore(%arg18 : memref<!tpu.dma_semaphore, #tpu.memory_space<semaphore_mem>>) src(%dma_wait3A_211 : memref<16384x64xf32, #tpu.memory_space<hbm>>) dst(%arg14 : memref<128x64xf32, #tpu.memory_space<vmem>>)
    %add3A_212 = arith.constant 0 : i32
    %add3A_213 = arith.addi %mul3A_2, %add3A_212 : i32
    %dma_start3A_214 = arith.constant 0 : i32
    %dma_start3A_215 = tpu.memref_slice %arg9[%add3A_213, %dma_start3A_214] : memref<16384x64xf32, #tpu.memory_space<hbm>> -> memref<128x64xf32, #tpu.memory_space<hbm>>
    %dma_start3A_216 = arith.constant 0 : i32
    %dma_start3A_217 = tpu.memref_slice %arg9[%add3A_213, %dma_start3A_216] : memref<16384x64xf32, #tpu.memory_space<hbm>> -> memref<128x64xf32, #tpu.memory_space<hbm>>
    tpu.enqueue_dma source(%arg14 : memref<128x64xf32, #tpu.memory_space<vmem>>) target(%dma_start3A_217 : memref<128x64xf32, #tpu.memory_space<hbm>>) target_semaphore(%arg22 : memref<!tpu.dma_semaphore, #tpu.memory_space<semaphore_mem>>)
    %dma_wait3A_218 = arith.constant 0 : i32
    %dma_wait3A_219 = tpu.memref_slice %arg9[%add3A_213, %dma_wait3A_218] : memref<16384x64xf32, #tpu.memory_space<hbm>> -> memref<128x64xf32, #tpu.memory_space<hbm>>
    %dma_wait3A_220 = arith.constant 0 : i32
    %dma_wait3A_221 = tpu.memref_slice %arg9[%add3A_213, %dma_wait3A_220] : memref<16384x64xf32, #tpu.memory_space<hbm>> -> memref<128x64xf32, #tpu.memory_space<hbm>>
    tpu.wait_dma2 semaphore(%arg22 : memref<!tpu.dma_semaphore, #tpu.memory_space<semaphore_mem>>) src(%arg14 : memref<128x64xf32, #tpu.memory_space<vmem>>) dst(%dma_wait3A_221 : memref<128x64xf32, #tpu.memory_space<hbm>>)
    %dma_start3A_222 = arith.constant 0 : i32
    %dma_start3A_223 = arith.constant 0 : i32
    %dma_start3A_224 = tpu.memref_slice %arg13[%dma_start3A_222, %dma_start3A_223] : memref<4x128xi32, #tpu.memory_space<vmem>> -> memref<1x128xi32, #tpu.memory_space<vmem>>
    %dma_start3A_225 = tpu.memref_squeeze %dma_start3A_224 : memref<1x128xi32, #tpu.memory_space<vmem>> -> memref<128xi32, #tpu.memory_space<vmem>>
    %dma_start3A_226 = arith.constant 0 : i32
    %dma_start3A_227 = arith.constant 0 : i32
    %dma_start3A_228 = tpu.memref_slice %arg5[%dma_start3A_226, %dma_start3A_227] : memref<16384x64xf32, #tpu.memory_space<hbm>> -> memref<16384x64xf32, #tpu.memory_space<hbm>>
    tpu.enqueue_indirect_dma source(%dma_start3A_228 : memref<16384x64xf32, #tpu.memory_space<hbm>>) target(%arg14 : memref<128x64xf32, #tpu.memory_space<vmem>>) offsets(%dma_start3A_225 : memref<128xi32, #tpu.memory_space<vmem>>) semaphore(%arg18 : memref<!tpu.dma_semaphore, #tpu.memory_space<semaphore_mem>>)
    %dma_wait3A_229 = arith.constant 1 : i32
    %dma_wait3A_230 = arith.constant 0 : i32
    %dma_wait3A_231 = tpu.memref_slice %arg13[%dma_wait3A_229, %dma_wait3A_230] : memref<4x128xi32, #tpu.memory_space<vmem>> -> memref<1x128xi32, #tpu.memory_space<vmem>>
    %dma_wait3A_232 = tpu.memref_squeeze %dma_wait3A_231 : memref<1x128xi32, #tpu.memory_space<vmem>> -> memref<128xi32, #tpu.memory_space<vmem>>
    %dma_wait3A_233 = arith.constant 0 : i32
    %dma_wait3A_234 = arith.constant 0 : i32
    %dma_wait3A_235 = tpu.memref_slice %arg4[%dma_wait3A_233, %dma_wait3A_234] : memref<16384x64xf32, #tpu.memory_space<hbm>> -> memref<16384x64xf32, #tpu.memory_space<hbm>>
    tpu.wait_indirect_dma semaphore(%arg19 : memref<!tpu.dma_semaphore, #tpu.memory_space<semaphore_mem>>) src(%dma_wait3A_235 : memref<16384x64xf32, #tpu.memory_space<hbm>>) dst(%arg15 : memref<128x64xf32, #tpu.memory_space<vmem>>)
    %add3A_236 = arith.constant 128 : i32
    %add3A_237 = arith.addi %mul3A_2, %add3A_236 : i32
    %dma_start3A_238 = arith.constant 0 : i32
    %dma_start3A_239 = tpu.memref_slice %arg9[%add3A_237, %dma_start3A_238] : memref<16384x64xf32, #tpu.memory_space<hbm>> -> memref<128x64xf32, #tpu.memory_space<hbm>>
    %dma_start3A_240 = arith.constant 0 : i32
    %dma_start3A_241 = tpu.memref_slice %arg9[%add3A_237, %dma_start3A_240] : memref<16384x64xf32, #tpu.memory_space<hbm>> -> memref<128x64xf32, #tpu.memory_space<hbm>>
    tpu.enqueue_dma source(%arg15 : memref<128x64xf32, #tpu.memory_space<vmem>>) target(%dma_start3A_241 : memref<128x64xf32, #tpu.memory_space<hbm>>) target_semaphore(%arg23 : memref<!tpu.dma_semaphore, #tpu.memory_space<semaphore_mem>>)
    %dma_wait3A_242 = arith.constant 0 : i32
    %dma_wait3A_243 = tpu.memref_slice %arg9[%add3A_237, %dma_wait3A_242] : memref<16384x64xf32, #tpu.memory_space<hbm>> -> memref<128x64xf32, #tpu.memory_space<hbm>>
    %dma_wait3A_244 = arith.constant 0 : i32
    %dma_wait3A_245 = tpu.memref_slice %arg9[%add3A_237, %dma_wait3A_244] : memref<16384x64xf32, #tpu.memory_space<hbm>> -> memref<128x64xf32, #tpu.memory_space<hbm>>
    tpu.wait_dma2 semaphore(%arg23 : memref<!tpu.dma_semaphore, #tpu.memory_space<semaphore_mem>>) src(%arg15 : memref<128x64xf32, #tpu.memory_space<vmem>>) dst(%dma_wait3A_245 : memref<128x64xf32, #tpu.memory_space<hbm>>)
    %dma_start3A_246 = arith.constant 1 : i32
    %dma_start3A_247 = arith.constant 0 : i32
    %dma_start3A_248 = tpu.memref_slice %arg13[%dma_start3A_246, %dma_start3A_247] : memref<4x128xi32, #tpu.memory_space<vmem>> -> memref<1x128xi32, #tpu.memory_space<vmem>>
    %dma_start3A_249 = tpu.memref_squeeze %dma_start3A_248 : memref<1x128xi32, #tpu.memory_space<vmem>> -> memref<128xi32, #tpu.memory_space<vmem>>
    %dma_start3A_250 = arith.constant 0 : i32
    %dma_start3A_251 = arith.constant 0 : i32
    %dma_start3A_252 = tpu.memref_slice %arg5[%dma_start3A_250, %dma_start3A_251] : memref<16384x64xf32, #tpu.memory_space<hbm>> -> memref<16384x64xf32, #tpu.memory_space<hbm>>
    tpu.enqueue_indirect_dma source(%dma_start3A_252 : memref<16384x64xf32, #tpu.memory_space<hbm>>) target(%arg15 : memref<128x64xf32, #tpu.memory_space<vmem>>) offsets(%dma_start3A_249 : memref<128xi32, #tpu.memory_space<vmem>>) semaphore(%arg19 : memref<!tpu.dma_semaphore, #tpu.memory_space<semaphore_mem>>)
    %dma_wait3A_253 = arith.constant 2 : i32
    %dma_wait3A_254 = arith.constant 0 : i32
    %dma_wait3A_255 = tpu.memref_slice %arg13[%dma_wait3A_253, %dma_wait3A_254] : memref<4x128xi32, #tpu.memory_space<vmem>> -> memref<1x128xi32, #tpu.memory_space<vmem>>
    %dma_wait3A_256 = tpu.memref_squeeze %dma_wait3A_255 : memref<1x128xi32, #tpu.memory_space<vmem>> -> memref<128xi32, #tpu.memory_space<vmem>>
    %dma_wait3A_257 = arith.constant 0 : i32
    %dma_wait3A_258 = arith.constant 0 : i32
    %dma_wait3A_259 = tpu.memref_slice %arg4[%dma_wait3A_257, %dma_wait3A_258] : memref<16384x64xf32, #tpu.memory_space<hbm>> -> memref<16384x64xf32, #tpu.memory_space<hbm>>
    tpu.wait_indirect_dma semaphore(%arg20 : memref<!tpu.dma_semaphore, #tpu.memory_space<semaphore_mem>>) src(%dma_wait3A_259 : memref<16384x64xf32, #tpu.memory_space<hbm>>) dst(%arg16 : memref<128x64xf32, #tpu.memory_space<vmem>>)
    %add3A_260 = arith.constant 256 : i32
    %add3A_261 = arith.addi %mul3A_2, %add3A_260 : i32
    %dma_start3A_262 = arith.constant 0 : i32
    %dma_start3A_263 = tpu.memref_slice %arg9[%add3A_261, %dma_start3A_262] : memref<16384x64xf32, #tpu.memory_space<hbm>> -> memref<128x64xf32, #tpu.memory_space<hbm>>
    %dma_start3A_264 = arith.constant 0 : i32
    %dma_start3A_265 = tpu.memref_slice %arg9[%add3A_261, %dma_start3A_264] : memref<16384x64xf32, #tpu.memory_space<hbm>> -> memref<128x64xf32, #tpu.memory_space<hbm>>
    tpu.enqueue_dma source(%arg16 : memref<128x64xf32, #tpu.memory_space<vmem>>) target(%dma_start3A_265 : memref<128x64xf32, #tpu.memory_space<hbm>>) target_semaphore(%arg24 : memref<!tpu.dma_semaphore, #tpu.memory_space<semaphore_mem>>)
    %dma_wait3A_266 = arith.constant 0 : i32
    %dma_wait3A_267 = tpu.memref_slice %arg9[%add3A_261, %dma_wait3A_266] : memref<16384x64xf32, #tpu.memory_space<hbm>> -> memref<128x64xf32, #tpu.memory_space<hbm>>
    %dma_wait3A_268 = arith.constant 0 : i32
    %dma_wait3A_269 = tpu.memref_slice %arg9[%add3A_261, %dma_wait3A_268] : memref<16384x64xf32, #tpu.memory_space<hbm>> -> memref<128x64xf32, #tpu.memory_space<hbm>>
    tpu.wait_dma2 semaphore(%arg24 : memref<!tpu.dma_semaphore, #tpu.memory_space<semaphore_mem>>) src(%arg16 : memref<128x64xf32, #tpu.memory_space<vmem>>) dst(%dma_wait3A_269 : memref<128x64xf32, #tpu.memory_space<hbm>>)
    %dma_start3A_270 = arith.constant 2 : i32
    %dma_start3A_271 = arith.constant 0 : i32
    %dma_start3A_272 = tpu.memref_slice %arg13[%dma_start3A_270, %dma_start3A_271] : memref<4x128xi32, #tpu.memory_space<vmem>> -> memref<1x128xi32, #tpu.memory_space<vmem>>
    %dma_start3A_273 = tpu.memref_squeeze %dma_start3A_272 : memref<1x128xi32, #tpu.memory_space<vmem>> -> memref<128xi32, #tpu.memory_space<vmem>>
    %dma_start3A_274 = arith.constant 0 : i32
    %dma_start3A_275 = arith.constant 0 : i32
    %dma_start3A_276 = tpu.memref_slice %arg5[%dma_start3A_274, %dma_start3A_275] : memref<16384x64xf32, #tpu.memory_space<hbm>> -> memref<16384x64xf32, #tpu.memory_space<hbm>>
    tpu.enqueue_indirect_dma source(%dma_start3A_276 : memref<16384x64xf32, #tpu.memory_space<hbm>>) target(%arg16 : memref<128x64xf32, #tpu.memory_space<vmem>>) offsets(%dma_start3A_273 : memref<128xi32, #tpu.memory_space<vmem>>) semaphore(%arg20 : memref<!tpu.dma_semaphore, #tpu.memory_space<semaphore_mem>>)
    %dma_wait3A_277 = arith.constant 3 : i32
    %dma_wait3A_278 = arith.constant 0 : i32
    %dma_wait3A_279 = tpu.memref_slice %arg13[%dma_wait3A_277, %dma_wait3A_278] : memref<4x128xi32, #tpu.memory_space<vmem>> -> memref<1x128xi32, #tpu.memory_space<vmem>>
    %dma_wait3A_280 = tpu.memref_squeeze %dma_wait3A_279 : memref<1x128xi32, #tpu.memory_space<vmem>> -> memref<128xi32, #tpu.memory_space<vmem>>
    %dma_wait3A_281 = arith.constant 0 : i32
    %dma_wait3A_282 = arith.constant 0 : i32
    %dma_wait3A_283 = tpu.memref_slice %arg4[%dma_wait3A_281, %dma_wait3A_282] : memref<16384x64xf32, #tpu.memory_space<hbm>> -> memref<16384x64xf32, #tpu.memory_space<hbm>>
    tpu.wait_indirect_dma semaphore(%arg21 : memref<!tpu.dma_semaphore, #tpu.memory_space<semaphore_mem>>) src(%dma_wait3A_283 : memref<16384x64xf32, #tpu.memory_space<hbm>>) dst(%arg17 : memref<128x64xf32, #tpu.memory_space<vmem>>)
    %add3A_284 = arith.constant 384 : i32
    %add3A_285 = arith.addi %mul3A_2, %add3A_284 : i32
    %dma_start3A_286 = arith.constant 0 : i32
    %dma_start3A_287 = tpu.memref_slice %arg9[%add3A_285, %dma_start3A_286] : memref<16384x64xf32, #tpu.memory_space<hbm>> -> memref<128x64xf32, #tpu.memory_space<hbm>>
    %dma_start3A_288 = arith.constant 0 : i32
    %dma_start3A_289 = tpu.memref_slice %arg9[%add3A_285, %dma_start3A_288] : memref<16384x64xf32, #tpu.memory_space<hbm>> -> memref<128x64xf32, #tpu.memory_space<hbm>>
    tpu.enqueue_dma source(%arg17 : memref<128x64xf32, #tpu.memory_space<vmem>>) target(%dma_start3A_289 : memref<128x64xf32, #tpu.memory_space<hbm>>) target_semaphore(%arg25 : memref<!tpu.dma_semaphore, #tpu.memory_space<semaphore_mem>>)
    %dma_wait3A_290 = arith.constant 0 : i32
    %dma_wait3A_291 = tpu.memref_slice %arg9[%add3A_285, %dma_wait3A_290] : memref<16384x64xf32, #tpu.memory_space<hbm>> -> memref<128x64xf32, #tpu.memory_space<hbm>>
    %dma_wait3A_292 = arith.constant 0 : i32
    %dma_wait3A_293 = tpu.memref_slice %arg9[%add3A_285, %dma_wait3A_292] : memref<16384x64xf32, #tpu.memory_space<hbm>> -> memref<128x64xf32, #tpu.memory_space<hbm>>
    tpu.wait_dma2 semaphore(%arg25 : memref<!tpu.dma_semaphore, #tpu.memory_space<semaphore_mem>>) src(%arg17 : memref<128x64xf32, #tpu.memory_space<vmem>>) dst(%dma_wait3A_293 : memref<128x64xf32, #tpu.memory_space<hbm>>)
    %dma_start3A_294 = arith.constant 3 : i32
    %dma_start3A_295 = arith.constant 0 : i32
    %dma_start3A_296 = tpu.memref_slice %arg13[%dma_start3A_294, %dma_start3A_295] : memref<4x128xi32, #tpu.memory_space<vmem>> -> memref<1x128xi32, #tpu.memory_space<vmem>>
    %dma_start3A_297 = tpu.memref_squeeze %dma_start3A_296 : memref<1x128xi32, #tpu.memory_space<vmem>> -> memref<128xi32, #tpu.memory_space<vmem>>
    %dma_start3A_298 = arith.constant 0 : i32
    %dma_start3A_299 = arith.constant 0 : i32
    %dma_start3A_300 = tpu.memref_slice %arg5[%dma_start3A_298, %dma_start3A_299] : memref<16384x64xf32, #tpu.memory_space<hbm>> -> memref<16384x64xf32, #tpu.memory_space<hbm>>
    tpu.enqueue_indirect_dma source(%dma_start3A_300 : memref<16384x64xf32, #tpu.memory_space<hbm>>) target(%arg17 : memref<128x64xf32, #tpu.memory_space<vmem>>) offsets(%dma_start3A_297 : memref<128xi32, #tpu.memory_space<vmem>>) semaphore(%arg21 : memref<!tpu.dma_semaphore, #tpu.memory_space<semaphore_mem>>)
    %dma_wait3A_301 = arith.constant 0 : i32
    %dma_wait3A_302 = arith.constant 0 : i32
    %dma_wait3A_303 = tpu.memref_slice %arg13[%dma_wait3A_301, %dma_wait3A_302] : memref<4x128xi32, #tpu.memory_space<vmem>> -> memref<1x128xi32, #tpu.memory_space<vmem>>
    %dma_wait3A_304 = tpu.memref_squeeze %dma_wait3A_303 : memref<1x128xi32, #tpu.memory_space<vmem>> -> memref<128xi32, #tpu.memory_space<vmem>>
    %dma_wait3A_305 = arith.constant 0 : i32
    %dma_wait3A_306 = arith.constant 0 : i32
    %dma_wait3A_307 = tpu.memref_slice %arg5[%dma_wait3A_305, %dma_wait3A_306] : memref<16384x64xf32, #tpu.memory_space<hbm>> -> memref<16384x64xf32, #tpu.memory_space<hbm>>
    tpu.wait_indirect_dma semaphore(%arg18 : memref<!tpu.dma_semaphore, #tpu.memory_space<semaphore_mem>>) src(%dma_wait3A_307 : memref<16384x64xf32, #tpu.memory_space<hbm>>) dst(%arg14 : memref<128x64xf32, #tpu.memory_space<vmem>>)
    %add3A_308 = arith.constant 0 : i32
    %add3A_309 = arith.addi %mul3A_2, %add3A_308 : i32
    %dma_start3A_310 = arith.constant 0 : i32
    %dma_start3A_311 = tpu.memref_slice %arg10[%add3A_309, %dma_start3A_310] : memref<16384x64xf32, #tpu.memory_space<hbm>> -> memref<128x64xf32, #tpu.memory_space<hbm>>
    %dma_start3A_312 = arith.constant 0 : i32
    %dma_start3A_313 = tpu.memref_slice %arg10[%add3A_309, %dma_start3A_312] : memref<16384x64xf32, #tpu.memory_space<hbm>> -> memref<128x64xf32, #tpu.memory_space<hbm>>
    tpu.enqueue_dma source(%arg14 : memref<128x64xf32, #tpu.memory_space<vmem>>) target(%dma_start3A_313 : memref<128x64xf32, #tpu.memory_space<hbm>>) target_semaphore(%arg22 : memref<!tpu.dma_semaphore, #tpu.memory_space<semaphore_mem>>)
    %dma_wait3A_314 = arith.constant 0 : i32
    %dma_wait3A_315 = tpu.memref_slice %arg10[%add3A_309, %dma_wait3A_314] : memref<16384x64xf32, #tpu.memory_space<hbm>> -> memref<128x64xf32, #tpu.memory_space<hbm>>
    %dma_wait3A_316 = arith.constant 0 : i32
    %dma_wait3A_317 = tpu.memref_slice %arg10[%add3A_309, %dma_wait3A_316] : memref<16384x64xf32, #tpu.memory_space<hbm>> -> memref<128x64xf32, #tpu.memory_space<hbm>>
    tpu.wait_dma2 semaphore(%arg22 : memref<!tpu.dma_semaphore, #tpu.memory_space<semaphore_mem>>) src(%arg14 : memref<128x64xf32, #tpu.memory_space<vmem>>) dst(%dma_wait3A_317 : memref<128x64xf32, #tpu.memory_space<hbm>>)
    %dma_start3A_318 = arith.constant 0 : i32
    %dma_start3A_319 = arith.constant 0 : i32
    %dma_start3A_320 = tpu.memref_slice %arg13[%dma_start3A_318, %dma_start3A_319] : memref<4x128xi32, #tpu.memory_space<vmem>> -> memref<1x128xi32, #tpu.memory_space<vmem>>
    %dma_start3A_321 = tpu.memref_squeeze %dma_start3A_320 : memref<1x128xi32, #tpu.memory_space<vmem>> -> memref<128xi32, #tpu.memory_space<vmem>>
    %dma_start3A_322 = arith.constant 0 : i32
    %dma_start3A_323 = arith.constant 0 : i32
    %dma_start3A_324 = tpu.memref_slice %arg6[%dma_start3A_322, %dma_start3A_323] : memref<16384x64xf32, #tpu.memory_space<hbm>> -> memref<16384x64xf32, #tpu.memory_space<hbm>>
    tpu.enqueue_indirect_dma source(%dma_start3A_324 : memref<16384x64xf32, #tpu.memory_space<hbm>>) target(%arg14 : memref<128x64xf32, #tpu.memory_space<vmem>>) offsets(%dma_start3A_321 : memref<128xi32, #tpu.memory_space<vmem>>) semaphore(%arg18 : memref<!tpu.dma_semaphore, #tpu.memory_space<semaphore_mem>>)
    %dma_wait3A_325 = arith.constant 1 : i32
    %dma_wait3A_326 = arith.constant 0 : i32
    %dma_wait3A_327 = tpu.memref_slice %arg13[%dma_wait3A_325, %dma_wait3A_326] : memref<4x128xi32, #tpu.memory_space<vmem>> -> memref<1x128xi32, #tpu.memory_space<vmem>>
    %dma_wait3A_328 = tpu.memref_squeeze %dma_wait3A_327 : memref<1x128xi32, #tpu.memory_space<vmem>> -> memref<128xi32, #tpu.memory_space<vmem>>
    %dma_wait3A_329 = arith.constant 0 : i32
    %dma_wait3A_330 = arith.constant 0 : i32
    %dma_wait3A_331 = tpu.memref_slice %arg5[%dma_wait3A_329, %dma_wait3A_330] : memref<16384x64xf32, #tpu.memory_space<hbm>> -> memref<16384x64xf32, #tpu.memory_space<hbm>>
    tpu.wait_indirect_dma semaphore(%arg19 : memref<!tpu.dma_semaphore, #tpu.memory_space<semaphore_mem>>) src(%dma_wait3A_331 : memref<16384x64xf32, #tpu.memory_space<hbm>>) dst(%arg15 : memref<128x64xf32, #tpu.memory_space<vmem>>)
    %add3A_332 = arith.constant 128 : i32
    %add3A_333 = arith.addi %mul3A_2, %add3A_332 : i32
    %dma_start3A_334 = arith.constant 0 : i32
    %dma_start3A_335 = tpu.memref_slice %arg10[%add3A_333, %dma_start3A_334] : memref<16384x64xf32, #tpu.memory_space<hbm>> -> memref<128x64xf32, #tpu.memory_space<hbm>>
    %dma_start3A_336 = arith.constant 0 : i32
    %dma_start3A_337 = tpu.memref_slice %arg10[%add3A_333, %dma_start3A_336] : memref<16384x64xf32, #tpu.memory_space<hbm>> -> memref<128x64xf32, #tpu.memory_space<hbm>>
    tpu.enqueue_dma source(%arg15 : memref<128x64xf32, #tpu.memory_space<vmem>>) target(%dma_start3A_337 : memref<128x64xf32, #tpu.memory_space<hbm>>) target_semaphore(%arg23 : memref<!tpu.dma_semaphore, #tpu.memory_space<semaphore_mem>>)
    %dma_wait3A_338 = arith.constant 0 : i32
    %dma_wait3A_339 = tpu.memref_slice %arg10[%add3A_333, %dma_wait3A_338] : memref<16384x64xf32, #tpu.memory_space<hbm>> -> memref<128x64xf32, #tpu.memory_space<hbm>>
    %dma_wait3A_340 = arith.constant 0 : i32
    %dma_wait3A_341 = tpu.memref_slice %arg10[%add3A_333, %dma_wait3A_340] : memref<16384x64xf32, #tpu.memory_space<hbm>> -> memref<128x64xf32, #tpu.memory_space<hbm>>
    tpu.wait_dma2 semaphore(%arg23 : memref<!tpu.dma_semaphore, #tpu.memory_space<semaphore_mem>>) src(%arg15 : memref<128x64xf32, #tpu.memory_space<vmem>>) dst(%dma_wait3A_341 : memref<128x64xf32, #tpu.memory_space<hbm>>)
    %dma_start3A_342 = arith.constant 1 : i32
    %dma_start3A_343 = arith.constant 0 : i32
    %dma_start3A_344 = tpu.memref_slice %arg13[%dma_start3A_342, %dma_start3A_343] : memref<4x128xi32, #tpu.memory_space<vmem>> -> memref<1x128xi32, #tpu.memory_space<vmem>>
    %dma_start3A_345 = tpu.memref_squeeze %dma_start3A_344 : memref<1x128xi32, #tpu.memory_space<vmem>> -> memref<128xi32, #tpu.memory_space<vmem>>
    %dma_start3A_346 = arith.constant 0 : i32
    %dma_start3A_347 = arith.constant 0 : i32
    %dma_start3A_348 = tpu.memref_slice %arg6[%dma_start3A_346, %dma_start3A_347] : memref<16384x64xf32, #tpu.memory_space<hbm>> -> memref<16384x64xf32, #tpu.memory_space<hbm>>
    tpu.enqueue_indirect_dma source(%dma_start3A_348 : memref<16384x64xf32, #tpu.memory_space<hbm>>) target(%arg15 : memref<128x64xf32, #tpu.memory_space<vmem>>) offsets(%dma_start3A_345 : memref<128xi32, #tpu.memory_space<vmem>>) semaphore(%arg19 : memref<!tpu.dma_semaphore, #tpu.memory_space<semaphore_mem>>)
    %dma_wait3A_349 = arith.constant 2 : i32
    %dma_wait3A_350 = arith.constant 0 : i32
    %dma_wait3A_351 = tpu.memref_slice %arg13[%dma_wait3A_349, %dma_wait3A_350] : memref<4x128xi32, #tpu.memory_space<vmem>> -> memref<1x128xi32, #tpu.memory_space<vmem>>
    %dma_wait3A_352 = tpu.memref_squeeze %dma_wait3A_351 : memref<1x128xi32, #tpu.memory_space<vmem>> -> memref<128xi32, #tpu.memory_space<vmem>>
    %dma_wait3A_353 = arith.constant 0 : i32
    %dma_wait3A_354 = arith.constant 0 : i32
    %dma_wait3A_355 = tpu.memref_slice %arg5[%dma_wait3A_353, %dma_wait3A_354] : memref<16384x64xf32, #tpu.memory_space<hbm>> -> memref<16384x64xf32, #tpu.memory_space<hbm>>
    tpu.wait_indirect_dma semaphore(%arg20 : memref<!tpu.dma_semaphore, #tpu.memory_space<semaphore_mem>>) src(%dma_wait3A_355 : memref<16384x64xf32, #tpu.memory_space<hbm>>) dst(%arg16 : memref<128x64xf32, #tpu.memory_space<vmem>>)
    %add3A_356 = arith.constant 256 : i32
    %add3A_357 = arith.addi %mul3A_2, %add3A_356 : i32
    %dma_start3A_358 = arith.constant 0 : i32
    %dma_start3A_359 = tpu.memref_slice %arg10[%add3A_357, %dma_start3A_358] : memref<16384x64xf32, #tpu.memory_space<hbm>> -> memref<128x64xf32, #tpu.memory_space<hbm>>
    %dma_start3A_360 = arith.constant 0 : i32
    %dma_start3A_361 = tpu.memref_slice %arg10[%add3A_357, %dma_start3A_360] : memref<16384x64xf32, #tpu.memory_space<hbm>> -> memref<128x64xf32, #tpu.memory_space<hbm>>
    tpu.enqueue_dma source(%arg16 : memref<128x64xf32, #tpu.memory_space<vmem>>) target(%dma_start3A_361 : memref<128x64xf32, #tpu.memory_space<hbm>>) target_semaphore(%arg24 : memref<!tpu.dma_semaphore, #tpu.memory_space<semaphore_mem>>)
    %dma_wait3A_362 = arith.constant 0 : i32
    %dma_wait3A_363 = tpu.memref_slice %arg10[%add3A_357, %dma_wait3A_362] : memref<16384x64xf32, #tpu.memory_space<hbm>> -> memref<128x64xf32, #tpu.memory_space<hbm>>
    %dma_wait3A_364 = arith.constant 0 : i32
    %dma_wait3A_365 = tpu.memref_slice %arg10[%add3A_357, %dma_wait3A_364] : memref<16384x64xf32, #tpu.memory_space<hbm>> -> memref<128x64xf32, #tpu.memory_space<hbm>>
    tpu.wait_dma2 semaphore(%arg24 : memref<!tpu.dma_semaphore, #tpu.memory_space<semaphore_mem>>) src(%arg16 : memref<128x64xf32, #tpu.memory_space<vmem>>) dst(%dma_wait3A_365 : memref<128x64xf32, #tpu.memory_space<hbm>>)
    %dma_start3A_366 = arith.constant 2 : i32
    %dma_start3A_367 = arith.constant 0 : i32
    %dma_start3A_368 = tpu.memref_slice %arg13[%dma_start3A_366, %dma_start3A_367] : memref<4x128xi32, #tpu.memory_space<vmem>> -> memref<1x128xi32, #tpu.memory_space<vmem>>
    %dma_start3A_369 = tpu.memref_squeeze %dma_start3A_368 : memref<1x128xi32, #tpu.memory_space<vmem>> -> memref<128xi32, #tpu.memory_space<vmem>>
    %dma_start3A_370 = arith.constant 0 : i32
    %dma_start3A_371 = arith.constant 0 : i32
    %dma_start3A_372 = tpu.memref_slice %arg6[%dma_start3A_370, %dma_start3A_371] : memref<16384x64xf32, #tpu.memory_space<hbm>> -> memref<16384x64xf32, #tpu.memory_space<hbm>>
    tpu.enqueue_indirect_dma source(%dma_start3A_372 : memref<16384x64xf32, #tpu.memory_space<hbm>>) target(%arg16 : memref<128x64xf32, #tpu.memory_space<vmem>>) offsets(%dma_start3A_369 : memref<128xi32, #tpu.memory_space<vmem>>) semaphore(%arg20 : memref<!tpu.dma_semaphore, #tpu.memory_space<semaphore_mem>>)
    %dma_wait3A_373 = arith.constant 3 : i32
    %dma_wait3A_374 = arith.constant 0 : i32
    %dma_wait3A_375 = tpu.memref_slice %arg13[%dma_wait3A_373, %dma_wait3A_374] : memref<4x128xi32, #tpu.memory_space<vmem>> -> memref<1x128xi32, #tpu.memory_space<vmem>>
    %dma_wait3A_376 = tpu.memref_squeeze %dma_wait3A_375 : memref<1x128xi32, #tpu.memory_space<vmem>> -> memref<128xi32, #tpu.memory_space<vmem>>
    %dma_wait3A_377 = arith.constant 0 : i32
    %dma_wait3A_378 = arith.constant 0 : i32
    %dma_wait3A_379 = tpu.memref_slice %arg5[%dma_wait3A_377, %dma_wait3A_378] : memref<16384x64xf32, #tpu.memory_space<hbm>> -> memref<16384x64xf32, #tpu.memory_space<hbm>>
    tpu.wait_indirect_dma semaphore(%arg21 : memref<!tpu.dma_semaphore, #tpu.memory_space<semaphore_mem>>) src(%dma_wait3A_379 : memref<16384x64xf32, #tpu.memory_space<hbm>>) dst(%arg17 : memref<128x64xf32, #tpu.memory_space<vmem>>)
    %add3A_380 = arith.constant 384 : i32
    %add3A_381 = arith.addi %mul3A_2, %add3A_380 : i32
    %dma_start3A_382 = arith.constant 0 : i32
    %dma_start3A_383 = tpu.memref_slice %arg10[%add3A_381, %dma_start3A_382] : memref<16384x64xf32, #tpu.memory_space<hbm>> -> memref<128x64xf32, #tpu.memory_space<hbm>>
    %dma_start3A_384 = arith.constant 0 : i32
    %dma_start3A_385 = tpu.memref_slice %arg10[%add3A_381, %dma_start3A_384] : memref<16384x64xf32, #tpu.memory_space<hbm>> -> memref<128x64xf32, #tpu.memory_space<hbm>>
    tpu.enqueue_dma source(%arg17 : memref<128x64xf32, #tpu.memory_space<vmem>>) target(%dma_start3A_385 : memref<128x64xf32, #tpu.memory_space<hbm>>) target_semaphore(%arg25 : memref<!tpu.dma_semaphore, #tpu.memory_space<semaphore_mem>>)
    %dma_wait3A_386 = arith.constant 0 : i32
    %dma_wait3A_387 = tpu.memref_slice %arg10[%add3A_381, %dma_wait3A_386] : memref<16384x64xf32, #tpu.memory_space<hbm>> -> memref<128x64xf32, #tpu.memory_space<hbm>>
    %dma_wait3A_388 = arith.constant 0 : i32
    %dma_wait3A_389 = tpu.memref_slice %arg10[%add3A_381, %dma_wait3A_388] : memref<16384x64xf32, #tpu.memory_space<hbm>> -> memref<128x64xf32, #tpu.memory_space<hbm>>
    tpu.wait_dma2 semaphore(%arg25 : memref<!tpu.dma_semaphore, #tpu.memory_space<semaphore_mem>>) src(%arg17 : memref<128x64xf32, #tpu.memory_space<vmem>>) dst(%dma_wait3A_389 : memref<128x64xf32, #tpu.memory_space<hbm>>)
    %dma_start3A_390 = arith.constant 3 : i32
    %dma_start3A_391 = arith.constant 0 : i32
    %dma_start3A_392 = tpu.memref_slice %arg13[%dma_start3A_390, %dma_start3A_391] : memref<4x128xi32, #tpu.memory_space<vmem>> -> memref<1x128xi32, #tpu.memory_space<vmem>>
    %dma_start3A_393 = tpu.memref_squeeze %dma_start3A_392 : memref<1x128xi32, #tpu.memory_space<vmem>> -> memref<128xi32, #tpu.memory_space<vmem>>
    %dma_start3A_394 = arith.constant 0 : i32
    %dma_start3A_395 = arith.constant 0 : i32
    %dma_start3A_396 = tpu.memref_slice %arg6[%dma_start3A_394, %dma_start3A_395] : memref<16384x64xf32, #tpu.memory_space<hbm>> -> memref<16384x64xf32, #tpu.memory_space<hbm>>
    tpu.enqueue_indirect_dma source(%dma_start3A_396 : memref<16384x64xf32, #tpu.memory_space<hbm>>) target(%arg17 : memref<128x64xf32, #tpu.memory_space<vmem>>) offsets(%dma_start3A_393 : memref<128xi32, #tpu.memory_space<vmem>>) semaphore(%arg21 : memref<!tpu.dma_semaphore, #tpu.memory_space<semaphore_mem>>)
    %dma_wait3A_397 = arith.constant 0 : i32
    %dma_wait3A_398 = arith.constant 0 : i32
    %dma_wait3A_399 = tpu.memref_slice %arg13[%dma_wait3A_397, %dma_wait3A_398] : memref<4x128xi32, #tpu.memory_space<vmem>> -> memref<1x128xi32, #tpu.memory_space<vmem>>
    %dma_wait3A_400 = tpu.memref_squeeze %dma_wait3A_399 : memref<1x128xi32, #tpu.memory_space<vmem>> -> memref<128xi32, #tpu.memory_space<vmem>>
    %dma_wait3A_401 = arith.constant 0 : i32
    %dma_wait3A_402 = arith.constant 0 : i32
    %dma_wait3A_403 = tpu.memref_slice %arg6[%dma_wait3A_401, %dma_wait3A_402] : memref<16384x64xf32, #tpu.memory_space<hbm>> -> memref<16384x64xf32, #tpu.memory_space<hbm>>
    tpu.wait_indirect_dma semaphore(%arg18 : memref<!tpu.dma_semaphore, #tpu.memory_space<semaphore_mem>>) src(%dma_wait3A_403 : memref<16384x64xf32, #tpu.memory_space<hbm>>) dst(%arg14 : memref<128x64xf32, #tpu.memory_space<vmem>>)
    %add3A_404 = arith.constant 0 : i32
    %add3A_405 = arith.addi %mul3A_2, %add3A_404 : i32
    %dma_start3A_406 = arith.constant 0 : i32
    %dma_start3A_407 = tpu.memref_slice %arg11[%add3A_405, %dma_start3A_406] : memref<16384x64xf32, #tpu.memory_space<hbm>> -> memref<128x64xf32, #tpu.memory_space<hbm>>
    %dma_start3A_408 = arith.constant 0 : i32
    %dma_start3A_409 = tpu.memref_slice %arg11[%add3A_405, %dma_start3A_408] : memref<16384x64xf32, #tpu.memory_space<hbm>> -> memref<128x64xf32, #tpu.memory_space<hbm>>
    tpu.enqueue_dma source(%arg14 : memref<128x64xf32, #tpu.memory_space<vmem>>) target(%dma_start3A_409 : memref<128x64xf32, #tpu.memory_space<hbm>>) target_semaphore(%arg22 : memref<!tpu.dma_semaphore, #tpu.memory_space<semaphore_mem>>)
    %dma_wait3A_410 = arith.constant 0 : i32
    %dma_wait3A_411 = tpu.memref_slice %arg11[%add3A_405, %dma_wait3A_410] : memref<16384x64xf32, #tpu.memory_space<hbm>> -> memref<128x64xf32, #tpu.memory_space<hbm>>
    %dma_wait3A_412 = arith.constant 0 : i32
    %dma_wait3A_413 = tpu.memref_slice %arg11[%add3A_405, %dma_wait3A_412] : memref<16384x64xf32, #tpu.memory_space<hbm>> -> memref<128x64xf32, #tpu.memory_space<hbm>>
    tpu.wait_dma2 semaphore(%arg22 : memref<!tpu.dma_semaphore, #tpu.memory_space<semaphore_mem>>) src(%arg14 : memref<128x64xf32, #tpu.memory_space<vmem>>) dst(%dma_wait3A_413 : memref<128x64xf32, #tpu.memory_space<hbm>>)
    %dma_start3A_414 = arith.constant 0 : i32
    %dma_start3A_415 = arith.constant 0 : i32
    %dma_start3A_416 = tpu.memref_slice %arg13[%dma_start3A_414, %dma_start3A_415] : memref<4x128xi32, #tpu.memory_space<vmem>> -> memref<1x128xi32, #tpu.memory_space<vmem>>
    %dma_start3A_417 = tpu.memref_squeeze %dma_start3A_416 : memref<1x128xi32, #tpu.memory_space<vmem>> -> memref<128xi32, #tpu.memory_space<vmem>>
    %dma_start3A_418 = arith.constant 0 : i32
    %dma_start3A_419 = arith.constant 0 : i32
    %dma_start3A_420 = tpu.memref_slice %arg7[%dma_start3A_418, %dma_start3A_419] : memref<16384x64xf32, #tpu.memory_space<hbm>> -> memref<16384x64xf32, #tpu.memory_space<hbm>>
    tpu.enqueue_indirect_dma source(%dma_start3A_420 : memref<16384x64xf32, #tpu.memory_space<hbm>>) target(%arg14 : memref<128x64xf32, #tpu.memory_space<vmem>>) offsets(%dma_start3A_417 : memref<128xi32, #tpu.memory_space<vmem>>) semaphore(%arg18 : memref<!tpu.dma_semaphore, #tpu.memory_space<semaphore_mem>>)
    %dma_wait3A_421 = arith.constant 1 : i32
    %dma_wait3A_422 = arith.constant 0 : i32
    %dma_wait3A_423 = tpu.memref_slice %arg13[%dma_wait3A_421, %dma_wait3A_422] : memref<4x128xi32, #tpu.memory_space<vmem>> -> memref<1x128xi32, #tpu.memory_space<vmem>>
    %dma_wait3A_424 = tpu.memref_squeeze %dma_wait3A_423 : memref<1x128xi32, #tpu.memory_space<vmem>> -> memref<128xi32, #tpu.memory_space<vmem>>
    %dma_wait3A_425 = arith.constant 0 : i32
    %dma_wait3A_426 = arith.constant 0 : i32
    %dma_wait3A_427 = tpu.memref_slice %arg6[%dma_wait3A_425, %dma_wait3A_426] : memref<16384x64xf32, #tpu.memory_space<hbm>> -> memref<16384x64xf32, #tpu.memory_space<hbm>>
    tpu.wait_indirect_dma semaphore(%arg19 : memref<!tpu.dma_semaphore, #tpu.memory_space<semaphore_mem>>) src(%dma_wait3A_427 : memref<16384x64xf32, #tpu.memory_space<hbm>>) dst(%arg15 : memref<128x64xf32, #tpu.memory_space<vmem>>)
    %add3A_428 = arith.constant 128 : i32
    %add3A_429 = arith.addi %mul3A_2, %add3A_428 : i32
    %dma_start3A_430 = arith.constant 0 : i32
    %dma_start3A_431 = tpu.memref_slice %arg11[%add3A_429, %dma_start3A_430] : memref<16384x64xf32, #tpu.memory_space<hbm>> -> memref<128x64xf32, #tpu.memory_space<hbm>>
    %dma_start3A_432 = arith.constant 0 : i32
    %dma_start3A_433 = tpu.memref_slice %arg11[%add3A_429, %dma_start3A_432] : memref<16384x64xf32, #tpu.memory_space<hbm>> -> memref<128x64xf32, #tpu.memory_space<hbm>>
    tpu.enqueue_dma source(%arg15 : memref<128x64xf32, #tpu.memory_space<vmem>>) target(%dma_start3A_433 : memref<128x64xf32, #tpu.memory_space<hbm>>) target_semaphore(%arg23 : memref<!tpu.dma_semaphore, #tpu.memory_space<semaphore_mem>>)
    %dma_wait3A_434 = arith.constant 0 : i32
    %dma_wait3A_435 = tpu.memref_slice %arg11[%add3A_429, %dma_wait3A_434] : memref<16384x64xf32, #tpu.memory_space<hbm>> -> memref<128x64xf32, #tpu.memory_space<hbm>>
    %dma_wait3A_436 = arith.constant 0 : i32
    %dma_wait3A_437 = tpu.memref_slice %arg11[%add3A_429, %dma_wait3A_436] : memref<16384x64xf32, #tpu.memory_space<hbm>> -> memref<128x64xf32, #tpu.memory_space<hbm>>
    tpu.wait_dma2 semaphore(%arg23 : memref<!tpu.dma_semaphore, #tpu.memory_space<semaphore_mem>>) src(%arg15 : memref<128x64xf32, #tpu.memory_space<vmem>>) dst(%dma_wait3A_437 : memref<128x64xf32, #tpu.memory_space<hbm>>)
    %dma_start3A_438 = arith.constant 1 : i32
    %dma_start3A_439 = arith.constant 0 : i32
    %dma_start3A_440 = tpu.memref_slice %arg13[%dma_start3A_438, %dma_start3A_439] : memref<4x128xi32, #tpu.memory_space<vmem>> -> memref<1x128xi32, #tpu.memory_space<vmem>>
    %dma_start3A_441 = tpu.memref_squeeze %dma_start3A_440 : memref<1x128xi32, #tpu.memory_space<vmem>> -> memref<128xi32, #tpu.memory_space<vmem>>
    %dma_start3A_442 = arith.constant 0 : i32
    %dma_start3A_443 = arith.constant 0 : i32
    %dma_start3A_444 = tpu.memref_slice %arg7[%dma_start3A_442, %dma_start3A_443] : memref<16384x64xf32, #tpu.memory_space<hbm>> -> memref<16384x64xf32, #tpu.memory_space<hbm>>
    tpu.enqueue_indirect_dma source(%dma_start3A_444 : memref<16384x64xf32, #tpu.memory_space<hbm>>) target(%arg15 : memref<128x64xf32, #tpu.memory_space<vmem>>) offsets(%dma_start3A_441 : memref<128xi32, #tpu.memory_space<vmem>>) semaphore(%arg19 : memref<!tpu.dma_semaphore, #tpu.memory_space<semaphore_mem>>)
    %dma_wait3A_445 = arith.constant 2 : i32
    %dma_wait3A_446 = arith.constant 0 : i32
    %dma_wait3A_447 = tpu.memref_slice %arg13[%dma_wait3A_445, %dma_wait3A_446] : memref<4x128xi32, #tpu.memory_space<vmem>> -> memref<1x128xi32, #tpu.memory_space<vmem>>
    %dma_wait3A_448 = tpu.memref_squeeze %dma_wait3A_447 : memref<1x128xi32, #tpu.memory_space<vmem>> -> memref<128xi32, #tpu.memory_space<vmem>>
    %dma_wait3A_449 = arith.constant 0 : i32
    %dma_wait3A_450 = arith.constant 0 : i32
    %dma_wait3A_451 = tpu.memref_slice %arg6[%dma_wait3A_449, %dma_wait3A_450] : memref<16384x64xf32, #tpu.memory_space<hbm>> -> memref<16384x64xf32, #tpu.memory_space<hbm>>
    tpu.wait_indirect_dma semaphore(%arg20 : memref<!tpu.dma_semaphore, #tpu.memory_space<semaphore_mem>>) src(%dma_wait3A_451 : memref<16384x64xf32, #tpu.memory_space<hbm>>) dst(%arg16 : memref<128x64xf32, #tpu.memory_space<vmem>>)
    %add3A_452 = arith.constant 256 : i32
    %add3A_453 = arith.addi %mul3A_2, %add3A_452 : i32
    %dma_start3A_454 = arith.constant 0 : i32
    %dma_start3A_455 = tpu.memref_slice %arg11[%add3A_453, %dma_start3A_454] : memref<16384x64xf32, #tpu.memory_space<hbm>> -> memref<128x64xf32, #tpu.memory_space<hbm>>
    %dma_start3A_456 = arith.constant 0 : i32
    %dma_start3A_457 = tpu.memref_slice %arg11[%add3A_453, %dma_start3A_456] : memref<16384x64xf32, #tpu.memory_space<hbm>> -> memref<128x64xf32, #tpu.memory_space<hbm>>
    tpu.enqueue_dma source(%arg16 : memref<128x64xf32, #tpu.memory_space<vmem>>) target(%dma_start3A_457 : memref<128x64xf32, #tpu.memory_space<hbm>>) target_semaphore(%arg24 : memref<!tpu.dma_semaphore, #tpu.memory_space<semaphore_mem>>)
    %dma_wait3A_458 = arith.constant 0 : i32
    %dma_wait3A_459 = tpu.memref_slice %arg11[%add3A_453, %dma_wait3A_458] : memref<16384x64xf32, #tpu.memory_space<hbm>> -> memref<128x64xf32, #tpu.memory_space<hbm>>
    %dma_wait3A_460 = arith.constant 0 : i32
    %dma_wait3A_461 = tpu.memref_slice %arg11[%add3A_453, %dma_wait3A_460] : memref<16384x64xf32, #tpu.memory_space<hbm>> -> memref<128x64xf32, #tpu.memory_space<hbm>>
    tpu.wait_dma2 semaphore(%arg24 : memref<!tpu.dma_semaphore, #tpu.memory_space<semaphore_mem>>) src(%arg16 : memref<128x64xf32, #tpu.memory_space<vmem>>) dst(%dma_wait3A_461 : memref<128x64xf32, #tpu.memory_space<hbm>>)
    %dma_start3A_462 = arith.constant 2 : i32
    %dma_start3A_463 = arith.constant 0 : i32
    %dma_start3A_464 = tpu.memref_slice %arg13[%dma_start3A_462, %dma_start3A_463] : memref<4x128xi32, #tpu.memory_space<vmem>> -> memref<1x128xi32, #tpu.memory_space<vmem>>
    %dma_start3A_465 = tpu.memref_squeeze %dma_start3A_464 : memref<1x128xi32, #tpu.memory_space<vmem>> -> memref<128xi32, #tpu.memory_space<vmem>>
    %dma_start3A_466 = arith.constant 0 : i32
    %dma_start3A_467 = arith.constant 0 : i32
    %dma_start3A_468 = tpu.memref_slice %arg7[%dma_start3A_466, %dma_start3A_467] : memref<16384x64xf32, #tpu.memory_space<hbm>> -> memref<16384x64xf32, #tpu.memory_space<hbm>>
    tpu.enqueue_indirect_dma source(%dma_start3A_468 : memref<16384x64xf32, #tpu.memory_space<hbm>>) target(%arg16 : memref<128x64xf32, #tpu.memory_space<vmem>>) offsets(%dma_start3A_465 : memref<128xi32, #tpu.memory_space<vmem>>) semaphore(%arg20 : memref<!tpu.dma_semaphore, #tpu.memory_space<semaphore_mem>>)
    %dma_wait3A_469 = arith.constant 3 : i32
    %dma_wait3A_470 = arith.constant 0 : i32
    %dma_wait3A_471 = tpu.memref_slice %arg13[%dma_wait3A_469, %dma_wait3A_470] : memref<4x128xi32, #tpu.memory_space<vmem>> -> memref<1x128xi32, #tpu.memory_space<vmem>>
    %dma_wait3A_472 = tpu.memref_squeeze %dma_wait3A_471 : memref<1x128xi32, #tpu.memory_space<vmem>> -> memref<128xi32, #tpu.memory_space<vmem>>
    %dma_wait3A_473 = arith.constant 0 : i32
    %dma_wait3A_474 = arith.constant 0 : i32
    %dma_wait3A_475 = tpu.memref_slice %arg6[%dma_wait3A_473, %dma_wait3A_474] : memref<16384x64xf32, #tpu.memory_space<hbm>> -> memref<16384x64xf32, #tpu.memory_space<hbm>>
    tpu.wait_indirect_dma semaphore(%arg21 : memref<!tpu.dma_semaphore, #tpu.memory_space<semaphore_mem>>) src(%dma_wait3A_475 : memref<16384x64xf32, #tpu.memory_space<hbm>>) dst(%arg17 : memref<128x64xf32, #tpu.memory_space<vmem>>)
    %add3A_476 = arith.constant 384 : i32
    %add3A_477 = arith.addi %mul3A_2, %add3A_476 : i32
    %dma_start3A_478 = arith.constant 0 : i32
    %dma_start3A_479 = tpu.memref_slice %arg11[%add3A_477, %dma_start3A_478] : memref<16384x64xf32, #tpu.memory_space<hbm>> -> memref<128x64xf32, #tpu.memory_space<hbm>>
    %dma_start3A_480 = arith.constant 0 : i32
    %dma_start3A_481 = tpu.memref_slice %arg11[%add3A_477, %dma_start3A_480] : memref<16384x64xf32, #tpu.memory_space<hbm>> -> memref<128x64xf32, #tpu.memory_space<hbm>>
    tpu.enqueue_dma source(%arg17 : memref<128x64xf32, #tpu.memory_space<vmem>>) target(%dma_start3A_481 : memref<128x64xf32, #tpu.memory_space<hbm>>) target_semaphore(%arg25 : memref<!tpu.dma_semaphore, #tpu.memory_space<semaphore_mem>>)
    %dma_wait3A_482 = arith.constant 0 : i32
    %dma_wait3A_483 = tpu.memref_slice %arg11[%add3A_477, %dma_wait3A_482] : memref<16384x64xf32, #tpu.memory_space<hbm>> -> memref<128x64xf32, #tpu.memory_space<hbm>>
    %dma_wait3A_484 = arith.constant 0 : i32
    %dma_wait3A_485 = tpu.memref_slice %arg11[%add3A_477, %dma_wait3A_484] : memref<16384x64xf32, #tpu.memory_space<hbm>> -> memref<128x64xf32, #tpu.memory_space<hbm>>
    tpu.wait_dma2 semaphore(%arg25 : memref<!tpu.dma_semaphore, #tpu.memory_space<semaphore_mem>>) src(%arg17 : memref<128x64xf32, #tpu.memory_space<vmem>>) dst(%dma_wait3A_485 : memref<128x64xf32, #tpu.memory_space<hbm>>)
    %dma_start3A_486 = arith.constant 3 : i32
    %dma_start3A_487 = arith.constant 0 : i32
    %dma_start3A_488 = tpu.memref_slice %arg13[%dma_start3A_486, %dma_start3A_487] : memref<4x128xi32, #tpu.memory_space<vmem>> -> memref<1x128xi32, #tpu.memory_space<vmem>>
    %dma_start3A_489 = tpu.memref_squeeze %dma_start3A_488 : memref<1x128xi32, #tpu.memory_space<vmem>> -> memref<128xi32, #tpu.memory_space<vmem>>
    %dma_start3A_490 = arith.constant 0 : i32
    %dma_start3A_491 = arith.constant 0 : i32
    %dma_start3A_492 = tpu.memref_slice %arg7[%dma_start3A_490, %dma_start3A_491] : memref<16384x64xf32, #tpu.memory_space<hbm>> -> memref<16384x64xf32, #tpu.memory_space<hbm>>
    tpu.enqueue_indirect_dma source(%dma_start3A_492 : memref<16384x64xf32, #tpu.memory_space<hbm>>) target(%arg17 : memref<128x64xf32, #tpu.memory_space<vmem>>) offsets(%dma_start3A_489 : memref<128xi32, #tpu.memory_space<vmem>>) semaphore(%arg21 : memref<!tpu.dma_semaphore, #tpu.memory_space<semaphore_mem>>)
    %dma_wait3A_493 = arith.constant 0 : i32
    %dma_wait3A_494 = arith.constant 0 : i32
    %dma_wait3A_495 = tpu.memref_slice %arg13[%dma_wait3A_493, %dma_wait3A_494] : memref<4x128xi32, #tpu.memory_space<vmem>> -> memref<1x128xi32, #tpu.memory_space<vmem>>
    %dma_wait3A_496 = tpu.memref_squeeze %dma_wait3A_495 : memref<1x128xi32, #tpu.memory_space<vmem>> -> memref<128xi32, #tpu.memory_space<vmem>>
    %dma_wait3A_497 = arith.constant 0 : i32
    %dma_wait3A_498 = arith.constant 0 : i32
    %dma_wait3A_499 = tpu.memref_slice %arg7[%dma_wait3A_497, %dma_wait3A_498] : memref<16384x64xf32, #tpu.memory_space<hbm>> -> memref<16384x64xf32, #tpu.memory_space<hbm>>
    tpu.wait_indirect_dma semaphore(%arg18 : memref<!tpu.dma_semaphore, #tpu.memory_space<semaphore_mem>>) src(%dma_wait3A_499 : memref<16384x64xf32, #tpu.memory_space<hbm>>) dst(%arg14 : memref<128x64xf32, #tpu.memory_space<vmem>>)
    %add3A_500 = arith.constant 0 : i32
    %add3A_501 = arith.addi %mul3A_2, %add3A_500 : i32
    %dma_start3A_502 = arith.constant 0 : i32
    %dma_start3A_503 = tpu.memref_slice %arg12[%add3A_501, %dma_start3A_502] : memref<16384x64xf32, #tpu.memory_space<hbm>> -> memref<128x64xf32, #tpu.memory_space<hbm>>
    %dma_start3A_504 = arith.constant 0 : i32
    %dma_start3A_505 = tpu.memref_slice %arg12[%add3A_501, %dma_start3A_504] : memref<16384x64xf32, #tpu.memory_space<hbm>> -> memref<128x64xf32, #tpu.memory_space<hbm>>
    tpu.enqueue_dma source(%arg14 : memref<128x64xf32, #tpu.memory_space<vmem>>) target(%dma_start3A_505 : memref<128x64xf32, #tpu.memory_space<hbm>>) target_semaphore(%arg22 : memref<!tpu.dma_semaphore, #tpu.memory_space<semaphore_mem>>)
    %dma_wait3A_506 = arith.constant 1 : i32
    %dma_wait3A_507 = arith.constant 0 : i32
    %dma_wait3A_508 = tpu.memref_slice %arg13[%dma_wait3A_506, %dma_wait3A_507] : memref<4x128xi32, #tpu.memory_space<vmem>> -> memref<1x128xi32, #tpu.memory_space<vmem>>
    %dma_wait3A_509 = tpu.memref_squeeze %dma_wait3A_508 : memref<1x128xi32, #tpu.memory_space<vmem>> -> memref<128xi32, #tpu.memory_space<vmem>>
    %dma_wait3A_510 = arith.constant 0 : i32
    %dma_wait3A_511 = arith.constant 0 : i32
    %dma_wait3A_512 = tpu.memref_slice %arg7[%dma_wait3A_510, %dma_wait3A_511] : memref<16384x64xf32, #tpu.memory_space<hbm>> -> memref<16384x64xf32, #tpu.memory_space<hbm>>
    tpu.wait_indirect_dma semaphore(%arg19 : memref<!tpu.dma_semaphore, #tpu.memory_space<semaphore_mem>>) src(%dma_wait3A_512 : memref<16384x64xf32, #tpu.memory_space<hbm>>) dst(%arg15 : memref<128x64xf32, #tpu.memory_space<vmem>>)
    %add3A_513 = arith.constant 128 : i32
    %add3A_514 = arith.addi %mul3A_2, %add3A_513 : i32
    %dma_start3A_515 = arith.constant 0 : i32
    %dma_start3A_516 = tpu.memref_slice %arg12[%add3A_514, %dma_start3A_515] : memref<16384x64xf32, #tpu.memory_space<hbm>> -> memref<128x64xf32, #tpu.memory_space<hbm>>
    %dma_start3A_517 = arith.constant 0 : i32
    %dma_start3A_518 = tpu.memref_slice %arg12[%add3A_514, %dma_start3A_517] : memref<16384x64xf32, #tpu.memory_space<hbm>> -> memref<128x64xf32, #tpu.memory_space<hbm>>
    tpu.enqueue_dma source(%arg15 : memref<128x64xf32, #tpu.memory_space<vmem>>) target(%dma_start3A_518 : memref<128x64xf32, #tpu.memory_space<hbm>>) target_semaphore(%arg23 : memref<!tpu.dma_semaphore, #tpu.memory_space<semaphore_mem>>)
    %dma_wait3A_519 = arith.constant 2 : i32
    %dma_wait3A_520 = arith.constant 0 : i32
    %dma_wait3A_521 = tpu.memref_slice %arg13[%dma_wait3A_519, %dma_wait3A_520] : memref<4x128xi32, #tpu.memory_space<vmem>> -> memref<1x128xi32, #tpu.memory_space<vmem>>
    %dma_wait3A_522 = tpu.memref_squeeze %dma_wait3A_521 : memref<1x128xi32, #tpu.memory_space<vmem>> -> memref<128xi32, #tpu.memory_space<vmem>>
    %dma_wait3A_523 = arith.constant 0 : i32
    %dma_wait3A_524 = arith.constant 0 : i32
    %dma_wait3A_525 = tpu.memref_slice %arg7[%dma_wait3A_523, %dma_wait3A_524] : memref<16384x64xf32, #tpu.memory_space<hbm>> -> memref<16384x64xf32, #tpu.memory_space<hbm>>
    tpu.wait_indirect_dma semaphore(%arg20 : memref<!tpu.dma_semaphore, #tpu.memory_space<semaphore_mem>>) src(%dma_wait3A_525 : memref<16384x64xf32, #tpu.memory_space<hbm>>) dst(%arg16 : memref<128x64xf32, #tpu.memory_space<vmem>>)
    %add3A_526 = arith.constant 256 : i32
    %add3A_527 = arith.addi %mul3A_2, %add3A_526 : i32
    %dma_start3A_528 = arith.constant 0 : i32
    %dma_start3A_529 = tpu.memref_slice %arg12[%add3A_527, %dma_start3A_528] : memref<16384x64xf32, #tpu.memory_space<hbm>> -> memref<128x64xf32, #tpu.memory_space<hbm>>
    %dma_start3A_530 = arith.constant 0 : i32
    %dma_start3A_531 = tpu.memref_slice %arg12[%add3A_527, %dma_start3A_530] : memref<16384x64xf32, #tpu.memory_space<hbm>> -> memref<128x64xf32, #tpu.memory_space<hbm>>
    tpu.enqueue_dma source(%arg16 : memref<128x64xf32, #tpu.memory_space<vmem>>) target(%dma_start3A_531 : memref<128x64xf32, #tpu.memory_space<hbm>>) target_semaphore(%arg24 : memref<!tpu.dma_semaphore, #tpu.memory_space<semaphore_mem>>)
    %dma_wait3A_532 = arith.constant 3 : i32
    %dma_wait3A_533 = arith.constant 0 : i32
    %dma_wait3A_534 = tpu.memref_slice %arg13[%dma_wait3A_532, %dma_wait3A_533] : memref<4x128xi32, #tpu.memory_space<vmem>> -> memref<1x128xi32, #tpu.memory_space<vmem>>
    %dma_wait3A_535 = tpu.memref_squeeze %dma_wait3A_534 : memref<1x128xi32, #tpu.memory_space<vmem>> -> memref<128xi32, #tpu.memory_space<vmem>>
    %dma_wait3A_536 = arith.constant 0 : i32
    %dma_wait3A_537 = arith.constant 0 : i32
    %dma_wait3A_538 = tpu.memref_slice %arg7[%dma_wait3A_536, %dma_wait3A_537] : memref<16384x64xf32, #tpu.memory_space<hbm>> -> memref<16384x64xf32, #tpu.memory_space<hbm>>
    tpu.wait_indirect_dma semaphore(%arg21 : memref<!tpu.dma_semaphore, #tpu.memory_space<semaphore_mem>>) src(%dma_wait3A_538 : memref<16384x64xf32, #tpu.memory_space<hbm>>) dst(%arg17 : memref<128x64xf32, #tpu.memory_space<vmem>>)
    %add3A_539 = arith.constant 384 : i32
    %add3A_540 = arith.addi %mul3A_2, %add3A_539 : i32
    %dma_start3A_541 = arith.constant 0 : i32
    %dma_start3A_542 = tpu.memref_slice %arg12[%add3A_540, %dma_start3A_541] : memref<16384x64xf32, #tpu.memory_space<hbm>> -> memref<128x64xf32, #tpu.memory_space<hbm>>
    %dma_start3A_543 = arith.constant 0 : i32
    %dma_start3A_544 = tpu.memref_slice %arg12[%add3A_540, %dma_start3A_543] : memref<16384x64xf32, #tpu.memory_space<hbm>> -> memref<128x64xf32, #tpu.memory_space<hbm>>
    tpu.enqueue_dma source(%arg17 : memref<128x64xf32, #tpu.memory_space<vmem>>) target(%dma_start3A_544 : memref<128x64xf32, #tpu.memory_space<hbm>>) target_semaphore(%arg25 : memref<!tpu.dma_semaphore, #tpu.memory_space<semaphore_mem>>)
    %dma_wait3A_545 = arith.constant 0 : i32
    %dma_wait3A_546 = tpu.memref_slice %arg12[%add3A_501, %dma_wait3A_545] : memref<16384x64xf32, #tpu.memory_space<hbm>> -> memref<128x64xf32, #tpu.memory_space<hbm>>
    %dma_wait3A_547 = arith.constant 0 : i32
    %dma_wait3A_548 = tpu.memref_slice %arg12[%add3A_501, %dma_wait3A_547] : memref<16384x64xf32, #tpu.memory_space<hbm>> -> memref<128x64xf32, #tpu.memory_space<hbm>>
    tpu.wait_dma2 semaphore(%arg22 : memref<!tpu.dma_semaphore, #tpu.memory_space<semaphore_mem>>) src(%arg14 : memref<128x64xf32, #tpu.memory_space<vmem>>) dst(%dma_wait3A_548 : memref<128x64xf32, #tpu.memory_space<hbm>>)
    %dma_wait3A_549 = arith.constant 0 : i32
    %dma_wait3A_550 = tpu.memref_slice %arg12[%add3A_514, %dma_wait3A_549] : memref<16384x64xf32, #tpu.memory_space<hbm>> -> memref<128x64xf32, #tpu.memory_space<hbm>>
    %dma_wait3A_551 = arith.constant 0 : i32
    %dma_wait3A_552 = tpu.memref_slice %arg12[%add3A_514, %dma_wait3A_551] : memref<16384x64xf32, #tpu.memory_space<hbm>> -> memref<128x64xf32, #tpu.memory_space<hbm>>
    tpu.wait_dma2 semaphore(%arg23 : memref<!tpu.dma_semaphore, #tpu.memory_space<semaphore_mem>>) src(%arg15 : memref<128x64xf32, #tpu.memory_space<vmem>>) dst(%dma_wait3A_552 : memref<128x64xf32, #tpu.memory_space<hbm>>)
    %dma_wait3A_553 = arith.constant 0 : i32
    %dma_wait3A_554 = tpu.memref_slice %arg12[%add3A_527, %dma_wait3A_553] : memref<16384x64xf32, #tpu.memory_space<hbm>> -> memref<128x64xf32, #tpu.memory_space<hbm>>
    %dma_wait3A_555 = arith.constant 0 : i32
    %dma_wait3A_556 = tpu.memref_slice %arg12[%add3A_527, %dma_wait3A_555] : memref<16384x64xf32, #tpu.memory_space<hbm>> -> memref<128x64xf32, #tpu.memory_space<hbm>>
    tpu.wait_dma2 semaphore(%arg24 : memref<!tpu.dma_semaphore, #tpu.memory_space<semaphore_mem>>) src(%arg16 : memref<128x64xf32, #tpu.memory_space<vmem>>) dst(%dma_wait3A_556 : memref<128x64xf32, #tpu.memory_space<hbm>>)
    %dma_wait3A_557 = arith.constant 0 : i32
    %dma_wait3A_558 = tpu.memref_slice %arg12[%add3A_540, %dma_wait3A_557] : memref<16384x64xf32, #tpu.memory_space<hbm>> -> memref<128x64xf32, #tpu.memory_space<hbm>>
    %dma_wait3A_559 = arith.constant 0 : i32
    %dma_wait3A_560 = tpu.memref_slice %arg12[%add3A_540, %dma_wait3A_559] : memref<16384x64xf32, #tpu.memory_space<hbm>> -> memref<128x64xf32, #tpu.memory_space<hbm>>
    tpu.wait_dma2 semaphore(%arg25 : memref<!tpu.dma_semaphore, #tpu.memory_space<semaphore_mem>>) src(%arg17 : memref<128x64xf32, #tpu.memory_space<vmem>>) dst(%dma_wait3A_560 : memref<128x64xf32, #tpu.memory_space<hbm>>)
    return
  }
}

</mosaic_0001>

<sc_bundles>
// kernel: kernel.4.cloned.1.call-start
scs
__scs_entry_jumppad:
0x0: {  	(pc) =	sbr.rel $0x88, $3  }
0x1: {  	(tag) =	ssettag $0x0;
	lr =	simm.s32 $0x1  }
0x2: {  	[smem:$0x3F9B] =	sst lr;
	_ =	strace $0xD0000000  }
0x3: {  	_ = 	snop  }
0x4: {  	_ = 	snop  }
0x5: {  	_ = 	snop  }
0x6: {  	_ = 	snop  }
0x7: {  	_ = 	snop  }
__scs_overlays_trampoline_lowered:
0x8: {  	[smem:$0x3FAA] =	sst s0  }
0x9: {  	[smem:$0x3FAB] =	sst s1  }
0xa: {  	[smem:$0x3FAC] =	sst s2  }
0xb: {  	[smem:$0x3FAD] =	sst s3  }
0xc: {  	[smem:$0x3FAE] =	sst s4  }
0xd: {  	[smem:$0x3FAF] =	sst s5  }
0xe: {  	[smem:$0x3FB0] =	sst s6  }
0xf: {  	[smem:$0x3FB1] =	sst s7  }
0x10: {  	[smem:$0x3FB2] =	sst s8  }
0x11: {  	[smem:$0x3FB3] =	sst s9;
	s0 =	simm.s32 @!p0 $0x0  }
0x12: {  	s1 =	sld [smem:$0x3F99];
	s0 =	simm.s32 @p0 $0x1  }
0x13: {  	[smem:$0x3FB4] =	sst s0;
	s0 =	simm.s32 @!p1 $0x0  }
0x14: {  	s2 =	sld [smem:$0x3F98];
	s0 =	simm.s32 @p1 $0x1  }
0x15: {  	[smem:$0x3FB5] =	sst s0;
	s0 =	simm.s32 @!p2 $0x0  }
0x16: {  	s3 =	sld [smem:$0x3FDB];
	s0 =	simm.s32 @p2 $0x1  }
0x17: {  	s4 =	simm.s32 $0x1BF5;
	[smem:$0x3FB7] =	sst s0  }
0x18: {  	s0 =	sld [smem:$0x3F9A];
	_ =	swait.ge [sflag:s4], $0x0  }
0x19: {  	s7 =	sld [smem:$0x3F9B]  }
0x1a: {  	s8 =	sadd.s32 $0xFFFFE003, lr  }
0x1b: {  	s9 =	sadd.s32 $0xFFFFFEF7, lr;
	s5 =	simm.s32 $0xFFFFFFFF;
	p2 =	slt.u32 s8, $0xFFFFF086  }
0x1c: {  	p1 =	slt.u32 s9, $0xF7A;
	s5 =	simm.s32 @!p2 $0x0  }
0x1d: {  	s5 =	simm.s32 @p1 $0x1;
	p0 =	seq.s32 s7, s2  }
0x1e: {  	s7 =	smul.u32 @!p0 $0xF7A, s2;
	p2 =	seq.s32 @!p0 s5, $0x0  }
0x1f: {  	s9 =	smul.u32 $0xF7A, s1;
	s8 =	simm.s32 @!p0 $0x1BF5;
	p2 =	por !p2, p0  }
0x20: {  	[sflag:s8] =	ssyncset.s32 @!p0 $0xFFFFF086;
	s6 =	sadd.s32 @!p0 s3, s7;
	s7 =	simm.s32 @!p0 $0x108  }
0x21: {  	s3 =	sadd.s32 s3, s9;
	s6 =	sadd.s32 @!p0 $0x88, s6;
	s7 =	simm.s32 @p2 $0x1082  }
0x22: {  	[simem:s7], [sflag:s8] =	dma.local @!p0 [hbm:s6], $0xF7A  }
0x23: {  	s9 =	sor.u32 $0xD0000000, s2;
	s6 =	simm.s32 $0x108;
	_ =	swait.ge @!p0 [sflag:s8], $0x0  }
0x24: {  	s3 =	sadd.s32 $0x88, s3;
	s6 =	simm.s32 @!p1 $0x1082;
	[sflag:s4] =	ssyncset.s32 $0xFFFFF086  }
0x25: {  	[simem:s6], [sflag:s4] =	dma.local [hbm:s3], $0xF7A  }
0x26: {  	[smem:$0x3F9B] =	sst s1;
	(tag) =	ssettag s2;
	_ =	strace s9  }
0x27: {  	s1 =	sld [smem:$0x3FAB]  }
0x28: {  	s2 =	sld [smem:$0x3FAC]  }
0x29: {  	s4 =	sld [smem:$0x3FAE]  }
0x2a: {  	p0 =	seq.s32 s5, $0x0;
	s5 =	sld [smem:$0x3FAF]  }
0x2b: {  	s6 =	sld [smem:$0x3FB0]  }
0x2c: {  	s7 =	sld [smem:$0x3FB1]  }
0x2d: {  	s3 =	simm.s32 $0x108;
	s8 =	sld [smem:$0x3FB2]  }
0x2e: {  	s3 =	simm.s32 @!p0 $0x1082;
	s9 =	sld [smem:$0x3FB3]  }
0x2f: {  	lr =	sadd.s32 s0, s3;
	s0 =	sld [smem:$0x3FAA]  }
0x30: {  	s3 =	sld [smem:$0x3FAD]  }
0x31: {  	[smem:$0x3FB6] =	sst s10  }
0x32: {  	s10 =	sld [smem:$0x3FB4];
	_ =	sdelay $0x3  }
0x33: {  	p0 =	seq.s32 s10, $0x1;
	s10 =	sld [smem:$0x3FB6];
	_ =	sdelay $0x3  }
0x34: {  	[smem:$0x3FB6] =	sst s10  }
0x35: {  	s10 =	sld [smem:$0x3FB5];
	_ =	sdelay $0x3  }
0x36: {  	p1 =	seq.s32 s10, $0x1;
	s10 =	sld [smem:$0x3FB6];
	_ =	sdelay $0x3  }
0x37: {  	[smem:$0x3FB6] =	sst s10  }
0x38: {  	s10 =	sld [smem:$0x3FB7]  }
0x39: {  	_ = 	snop;
	(pc) =	sbr.ind lr, $3  }
0x3a: {  	_ = 	snop  }
0x3b: {  	_ = 	snop  }
0x3c: {  	p2 =	seq.s32 s10, $0x1;
	s10 =	sld [smem:$0x3FB6]  }
0x3d: {  	_ =	shalt  }
0x3e: {  	_ =	shalt  }
0x3f: {  	_ =	shalt  }
0x40: {  	_ =	shalt  }
0x41: {  	_ =	shalt  }
0x42: {  	_ =	shalt  }
0x43: {  	_ =	shalt  }
0x44: {  	_ =	shalt  }
0x45: {  	_ =	shalt  }
0x46: {  	_ =	shalt  }
0x47: {  	_ =	shalt  }
0x48: {  	_ =	shalt  }
0x49: {  	_ =	shalt  }
0x4a: {  	_ =	shalt  }
0x4b: {  	_ =	shalt  }
0x4c: {  	_ =	shalt  }
0x4d: {  	_ =	shalt  }
0x4e: {  	_ =	shalt  }
0x4f: {  	_ =	shalt  }
0x50: {  	_ =	shalt  }
0x51: {  	_ =	shalt  }
0x52: {  	_ =	shalt  }
0x53: {  	_ =	shalt  }
0x54: {  	_ =	shalt  }
0x55: {  	_ =	shalt  }
0x56: {  	_ =	shalt  }
0x57: {  	_ =	shalt  }
0x58: {  	_ =	shalt  }
0x59: {  	_ =	shalt  }
0x5a: {  	_ =	shalt  }
0x5b: {  	_ =	shalt  }
0x5c: {  	_ =	shalt  }
0x5d: {  	_ =	shalt  }
0x5e: {  	_ =	shalt  }
0x5f: {  	_ =	shalt  }
0x60: {  	_ =	shalt  }
0x61: {  	_ =	shalt  }
0x62: {  	_ =	shalt  }
0x63: {  	_ =	shalt  }
0x64: {  	_ =	shalt  }
0x65: {  	_ =	shalt  }
0x66: {  	_ =	shalt  }
0x67: {  	_ =	shalt  }
0x68: {  	_ =	shalt  }
0x69: {  	_ =	shalt  }
0x6a: {  	_ =	shalt  }
0x6b: {  	_ =	shalt  }
0x6c: {  	_ =	shalt  }
0x6d: {  	_ =	shalt  }
0x6e: {  	_ =	shalt  }
0x6f: {  	_ =	shalt  }
0x70: {  	_ =	shalt  }
0x71: {  	_ =	shalt  }
0x72: {  	_ =	shalt  }
0x73: {  	_ =	shalt  }
0x74: {  	_ =	shalt  }
0x75: {  	_ =	shalt  }
0x76: {  	_ =	shalt  }
0x77: {  	_ =	shalt  }
0x78: {  	_ =	shalt  }
0x79: {  	_ =	shalt  }
0x7a: {  	_ =	shalt  }
0x7b: {  	_ =	shalt  }
0x7c: {  	_ =	shalt  }
0x7d: {  	_ =	shalt  }
0x7e: {  	_ =	shalt  }
0x7f: {  	_ =	shalt  }
0x80: {  	_ =	shalt  }
0x81: {  	_ =	shalt  }
0x82: {  	_ =	shalt  }
0x83: {  	_ =	shalt  }
0x84: {  	_ =	shalt  }
0x85: {  	_ =	shalt  }
0x86: {  	_ =	shalt  }
0x87: {  	_ =	shalt  }
.Lfunc_end0:
.L_simem_size_0:
called_computation_lowered:
.L_overlay_start_0:
0x88: {  	s2 =	sld [smem:$0x3FD9]  }
0x89: {  	s3 =	sld [smem:$0x3FFE];
	_ =	sdelay $0x1  }
0x8a: {  	s1 =	srdreg.scid  }
0x8b: {  	s0 =	sand.u32 $0x1, s1  }
0x8c: {  	s17 =	sshll.u32 s0, $0xA;
	s2 =	sadd.s32 s3, s2  }
0x8d: {  	s2 =	sadd.s32 s2, s17  }
0x8e: {  	[smem:$0x3FC2] =	sst s2  }
0x8f: {  	_ = 	snop  }
0x90: {  	s2 =	sld [smem:$0x3FC4];
	(tm) =	ssettm $0x1  }
0x91: {  	s18 =	sld [smem:$0x3FFB];
	_ =	sdelay $0x3  }
0x92: {  	_ =	strace s18  }
0x93: {  	s3 =	sld [smem:$0x3FFC];
	_ =	sdelay $0x3  }
0x94: {  	_ =	strace s3  }
0x95: {  	s3 =	sld [smem:$0x3FFD];
	_ =	sdelay $0x3  }
0x96: {  	_ =	strace s3  }
0x97: {  	_ =	strace $0x8FFFFFFF  }
0x98: {  	s19 =	sld [smem:$0x3FDB];
	_ =	sdelay $0x1  }
0x99: {  	s4 =	simm.s32 $_scs_section_size  }
0x9a: {  	s5 =	simm.s32 $_size__tile_overlayer_lowered;
	s6 =	simm.s32 $_tile_overlayer_lowered  }
0x9b: {  	s22 =	simm.s32 $0x1BFF;
	s21 =	sshll.u32 s6, $0x1;
	s3 =	sadd.s32 s4, s19  }
0x9c: {  	s7 =	simm.s32 $0x0;
	s20 =	sshll.u32 s5, $0x1;
	s5 =	sadd.s32 s21, s3  }
0x9d: {  	[timem:s7], [sflag:s22] =	dma.local [hbm:s5], s20  }
0x9e: {  	_ =	swait.ge [sflag:s22], s20  }
0x9f: {  	s4 =	ssub.s32 $0x0, s20;
	[sflag:s22] =	ssyncset.done $0x0  }
0xa0: {  	[sflag:s22] =	ssyncadd.s32 s4;
	_ =	sdelay $0x1  }
0xa1: {  	s23 =	simm.s32 $0x1B8B  }
0xa2: {  	_ =	swait.ge [sflag:s23], $0x1  }
0xa3: {  	[sflag:s23] =	ssyncset.done $0x0  }
0xa4: {  	s25 =	simm.s32 $0x1B8E;
	s24 =	sld [smem:$0x3FFE];
	[sflag:s23] =	ssyncadd.s32 $0xFFFFFFFF  }
0xa5: {  	s26 =	simm.s32 $execute0_lowered;
	[smem:$0x3FD2] =	sst s25  }
0xa6: {  	s5 =	sshll.u32 s26, $0x1;
	_ =	strace $0x80000046;
	[dreg:$0x1] =	wrdreg $0xFFFFFFFF  }
0xa7: {  	s28 =	simm.s32 $_size_execute0_lowered;
	s3 =	sadd.s32 s3, s5;
	[dreg:$0x0] =	wrdreg $0x0  }
0xa8: {  	s5 =	sshll.u32 s28, $0x1;
	[dreg:$0x2] =	wrdreg s3  }
0xa9: {  	[dreg:$0x3] =	wrdreg s5  }
0xaa: {  	[dreg:$0x4] =	wrdreg $0xC0  }
0xab: {  	_ =	task [dreg:s7], $0x5FFFF  }
0xac: {  	[dreg:$0x1] =	wrdreg $0xFFFFFFFF  }
0xad: {  	[dreg:$0x0] =	wrdreg $0x60  }
0xae: {  	[dreg:$0x2] =	wrdreg s2  }
0xaf: {  	[dreg:$0x3] =	wrdreg s24  }
0xb0: {  	[dreg:$0x4] =	wrdreg $0x9  }
0xb1: {  	_ =	task.clear_ibuf [dreg:s7], $0x5FFFF;
	_ =	strace $0x90000046  }
0xb2: {  	s29 =	simm.s32 $0x9;
	_ =	strace $0x80000048  }
0xb3: {  	_ =	swait.ge [sflag:s29], $0x1  }
0xb4: {  	[sflag:s29] =	ssyncadd.s32 $0xFFFFFFFF  }
0xb5: {  	_ =	strace $0x90000048  }
0xb6: {  	_ =	sfence  }
0xb7: {  	s30 =	sld [smem:$0x0];
	_ =	sdelay $0x2  }
0xb8: {  	s31 =	sshll.u32 s1, $0xD;
	s1 =	sshrl.u32 s1, $0x2  }
0xb9: {  	s3 =	sand.u32 $0x4000, s31;
	s1 =	sadd.s32 s1, s30  }
0xba: {  	s0 =	sor.u32 s3, s0;
	s1 =	sshll.u32 s1, $0x11  }
0xbb: {  	s0 =	sor.u32 s1, s0  }
0xbc: {  	s0 =	sadd.s32 $0x8F2B, s0  }
0xbd: {  	[sflag:s0] =	ssyncadd.remote.s32 $0x1  }
0xbe: {  	_ =	sfence.sel $0xFFFF  }
0xbf: {  	[dreg:$0x0] =	wrdreg $0xFFFFFFFF;
	(pc) =	sbr.abs _section_cstart, $3  }
0xc0: {  	[dreg:$0x1] =	wrdreg $0xFFFFFFFF  }
0xc1: {  	_ =	task.clear_ibuf [dreg:s7], $0x2FFFF;
	_ =	strace $0x9FFFFFFF  }
0xc2: {  	(tm) =	ssettm $0x7FFFFFFF  }
0xc3: {  	_ =	shalt  }
tec
execute0_lowered:
.L_overlay_start_1:
0x0: {  	(tag) =	ssettag $0x1  }
0x1: {  	s0 =	srdreg.scid  }
0x2: {  	s3 =	sand.u32 $0x1, s0;
	s0 =	stileid.u32  }
0x3: {  	s5 =	sor.u32 s0, s3  }
0x4: {  	p0 =	sne.s32 s5, $0x0  }
.Ltmp0:
0x5: {  	_ = 	snop;
	(pc) =	sbr.rel @p0 .LBB2_9-.Ltmp0, $4  }
0x6: {  	_ = 	snop  }
0x7: {  	s2 =	rddreg [dreg:$0x0]  }
0x8: {  	s4 =	rddreg [dreg:$0x1]  }
0x9: {  	s1 =	rddreg [dreg:$0x2];
	_ =	strace $0x80000047  }
0xa: {  	s5 =	ssub.s32 $0x2, s3;
	s3 =	sadd.s32 $0x1C00, s4;
	s4 =	sadd.s32 $0x4E00, s4  }
0xb: {  	s7 =	simm.s32 $0x1;
	s8 =	simm.s32 $0x18700;
	s6 =	sshrl.u32 s5, $0x1  }
0xc: {  	v0 =	vlaneseq.u32;
	s9 =	simm.s32 $0x0;
	s5 =	ssub.s32 s5, s6;
	s6 =	simm.s32 $0x0  }
.LBB2_2:
0xd: {  	[tilespmem:s6], [sflag:$0x1] =	stream.linear.gather [hbm4b:s3+s6], $0x18700, $0x38;
	[tilespmem:$0x1C700] =	vst v63  }
0xe: {  	_ =	swait.ge [sflag:s7], $0x18700  }
0xf: {  	[sflag:s7] =	ssyncset.done $0x0  }
.Ltmp1:
0x10: {  	[sflag:s7] =	ssyncadd.s32 $0xFFFE7900;
	(pc) =	sbr.rel .LBB2_3-.Ltmp1, $4  }
0x11: {  	[tilespmem:s8], [sflag:$0x1] =	stream.linear.gather [hbm4b:s2+s6], $0x4000, $0x38;
	[tilespmem:$0x1C700] =	vst v63  }
0x12: {  	_ =	swait.ge [sflag:s7], $0x4000  }
0x13: {  	[sflag:s7] =	ssyncset.done $0x0  }
0x14: {  	s10 =	simm.s32 $0x0;
	[sflag:s7] =	ssyncadd.s32 $0xFFFFC000  }
.LBB2_5:
0x15: {  	s10 =	sadd.s32 $0x1, s10  }
0x16: {  	p0 =	sne.s32 s10, $0x400  }
.Ltmp2:
0x17: {  	_ = 	snop;
	(pc) =	sbr.rel @!p0 .LBB2_6-.Ltmp2, $1  }
0x18: {  	_ =	sdelay $0x3  }
.LBB2_3:
0x19: {  	s11 =	sshll.u32 s10, $0x4  }
0x1a: {  	v1 =	vld [tilespmem:s11+$0x18700];
	_ =	sdelay $0x6  }
0x1b: {  	v2 =	vor.u32 s11, v0  }
0x1c: {  	[tilespmem:v1+s6+$0x0] =	vst.idx.msk $0xffff, v2  }
0x1d: {  	v3 =	vld.idx.msk [tilespmem:v1+s6+$0x0], $0xffff;
	_ =	sdelay $0x4  }
0x1e: {  	vm0 =	vgt.s32 v2, v3  }
0x1f: {  	v4 =	vmpcnt.ones.xlane vm0;
	_ =	sdelay $0x1  }
0x20: {  	(v2sf) =	vpush v4, $0x0;
	_ =	sdelay $0xe  }
0x21: {  	s31 =	spop (v2sf)  }
0x22: {  	p0 =	slt.s32 s31, $0x1  }
.Ltmp3:
0x23: {  	_ = 	snop;
	(pc) =	sbr.rel @p0 .LBB2_5-.Ltmp3, $1  }
0x24: {  	_ =	sdelay $0x3  }
.LBB2_4:
0x25: {  	vm0 =	vgt.s32 v2, v3;
	_ =	sdelay $0x5  }
0x26: {  	[tilespmem:v1+s6+$0x0] =	vst.idx.msk vm0, v2  }
0x27: {  	v3 =	vld.idx.msk [tilespmem:v1+s6+$0x0], $0xffff;
	_ =	sdelay $0x4  }
0x28: {  	vm15 =	vgt.s32 v2, v3  }
0x29: {  	v4 =	vmpcnt.ones.xlane vm15;
	_ =	sdelay $0x1  }
0x2a: {  	(v2sf) =	vpush v4, $0x0;
	_ =	sdelay $0xe  }
0x2b: {  	s11 =	spop (v2sf)  }
0x2c: {  	p0 =	sgt.s32 s11, $0x0  }
.Ltmp4:
0x2d: {  	_ = 	snop;
	(pc) =	sbr.rel @p0 .LBB2_4-.Ltmp4, $1  }
0x2e: {  	_ =	sdelay $0x3  }
.Ltmp5:
0x2f: {  	_ = 	snop;
	(pc) =	sbr.rel .LBB2_5-.Ltmp5, $1  }
0x30: {  	_ =	sdelay $0x3  }
.LBB2_6:
0x31: {  	s10 =	simm.s32 $0x0;
	s11 =	simm.s32 $0x40  }
.LBB2_7:
0x32: {  	p0 =	sne.s32 s11, $0xFFC0;
	v1 =	vld [tilespmem:s10+$0x18700];
	_ =	sdelay $0x7  }
0x33: {  	v1 =	vld.idx.msk [tilespmem:v1+s6+$0x0], $0xffff;
	_ =	sdelay $0x1  }
.Ltmp6:
0x34: {  	(pc) =	sbr.rel @p0 .LBB2_7-.Ltmp6, $2  }
0x35: {  	_ =	sdelay $0x2  }
0x36: {  	[tilespmem:s10+$0x18700] =	vst v1;
	s10 =	sshra.s32 s11, $0x2;
	s11 =	sadd.s32 $0x40, s11  }
0x37: {  	v1 =	vld [tilespmem:s10+$0x18700];
	_ =	sdelay $0x7  }
0x38: {  	v1 =	vld.idx.msk [tilespmem:v1+s6+$0x0], $0xffff;
	_ =	sdelay $0x2  }
0x39: {  	s9 =	sadd.s32 $0x1, s9  }
0x3a: {  	p0 =	sne.s32 s9, s5  }
.Ltmp7:
0x3b: {  	[tilespmem:s10+$0x18700] =	vst v1;
	(pc) =	sbr.rel @p0 .LBB2_2-.Ltmp7, $4  }
0x3c: {  	[hbm4b:s4+s6] =	stream.linear.scatter [tilespmem:s8], [sflag:$0x1], $0x4000, $0x38;
	[tilespmem:$0x1C700] =	vst v63  }
0x3d: {  	_ =	swait.ge [sflag:s7], $0x4000  }
0x3e: {  	[sflag:s7] =	ssyncset.done $0x0  }
0x3f: {  	[sflag:s7] =	ssyncadd.s32 $0xFFFFC000  }
.LBB2_9:
0x40: {  	_ =	sfence.sel $0x180000  }
0x41: {  	[bflag:$0x0] =	sbarrier.arrive $0xFFFF  }
0x42: {  	p0 =	sne.s32 s0, $0x0;
	_ =	strace $0x90000047  }
0x43: {  	s0 =	sadd.s32 @!p0 $0x100000, s1;
	[bflag:$0x2] =	sbarrier.arrive $0xFFFF  }
0x44: {  	[sflag:s0] =	ssyncadd.tile.s32 @!p0 $0x1;
	_ =	shalt  }
.Lfunc_end2:
_tile_overlayer_lowered:
.L_overlay_start_2:
0x45: {  	(tag) =	ssettag $0x2  }
0x46: {  	s0 =	rddreg [dreg:$0x0];
	s2 =	stileid.u32  }
0x47: {  	s1 =	rddreg [dreg:$0x1];
	p0 =	sne.s32 s2, $0x0  }
0x48: {  	s3 =	rddreg [dreg:$0x2];
	[bflag:$0x3] =	sbarrier.arrive $0xFFFF;
	s2 =	simm.s32 @!p0 $0x1C01  }
0x49: {  	[timem:s3], [sflag:s2] =	dma.local @!p0 [hbm:s0], s1  }
0x4a: {  	s0 =	simm.s32 @!p0 $0x1  }
0x4b: {  	_ =	swait.ge @!p0 [sflag:s0], s1  }
0x4c: {  	s1 =	ssub.s32 @!p0 $0x0, s1;
	[sflag:s0] =	ssyncset.done @!p0 $0x0  }
0x4d: {  	[sflag:s0] =	ssyncadd.s32 @!p0 s1  }
0x4e: {  	[bflag:$0x3] =	sbarrier.arrive $0xFFFF  }
0x4f: {  	_ =	shalt  }

// kernel: kernel.7.cloned.1.call-start
scs
__scs_entry_jumppad:
0x0: {  	(pc) =	sbr.rel $0x88, $3  }
0x1: {  	(tag) =	ssettag $0x0;
	lr =	simm.s32 $0x1  }
0x2: {  	[smem:$0x3F9B] =	sst lr;
	_ =	strace $0xD0000000  }
0x3: {  	_ = 	snop  }
0x4: {  	_ = 	snop  }
0x5: {  	_ = 	snop  }
0x6: {  	_ = 	snop  }
0x7: {  	_ = 	snop  }
__scs_overlays_trampoline_lowered:
0x8: {  	[smem:$0x3FAA] =	sst s0  }
0x9: {  	[smem:$0x3FAB] =	sst s1  }
0xa: {  	[smem:$0x3FAC] =	sst s2  }
0xb: {  	[smem:$0x3FAD] =	sst s3  }
0xc: {  	[smem:$0x3FAE] =	sst s4  }
0xd: {  	[smem:$0x3FAF] =	sst s5  }
0xe: {  	[smem:$0x3FB0] =	sst s6  }
0xf: {  	[smem:$0x3FB1] =	sst s7  }
0x10: {  	[smem:$0x3FB2] =	sst s8  }
0x11: {  	[smem:$0x3FB3] =	sst s9;
	s0 =	simm.s32 @!p0 $0x0  }
0x12: {  	s1 =	sld [smem:$0x3F99];
	s0 =	simm.s32 @p0 $0x1  }
0x13: {  	[smem:$0x3FB4] =	sst s0;
	s0 =	simm.s32 @!p1 $0x0  }
0x14: {  	s2 =	sld [smem:$0x3F98];
	s0 =	simm.s32 @p1 $0x1  }
0x15: {  	[smem:$0x3FB5] =	sst s0;
	s0 =	simm.s32 @!p2 $0x0  }
0x16: {  	s3 =	sld [smem:$0x3FDB];
	s0 =	simm.s32 @p2 $0x1  }
0x17: {  	s4 =	simm.s32 $0x1BF5;
	[smem:$0x3FB7] =	sst s0  }
0x18: {  	s0 =	sld [smem:$0x3F9A];
	_ =	swait.ge [sflag:s4], $0x0  }
0x19: {  	s7 =	sld [smem:$0x3F9B]  }
0x1a: {  	s8 =	sadd.s32 $0xFFFFE003, lr  }
0x1b: {  	s9 =	sadd.s32 $0xFFFFFEF7, lr;
	s5 =	simm.s32 $0xFFFFFFFF;
	p2 =	slt.u32 s8, $0xFFFFF086  }
0x1c: {  	p1 =	slt.u32 s9, $0xF7A;
	s5 =	simm.s32 @!p2 $0x0  }
0x1d: {  	s5 =	simm.s32 @p1 $0x1;
	p0 =	seq.s32 s7, s2  }
0x1e: {  	s7 =	smul.u32 @!p0 $0xF7A, s2;
	p2 =	seq.s32 @!p0 s5, $0x0  }
0x1f: {  	s9 =	smul.u32 $0xF7A, s1;
	s8 =	simm.s32 @!p0 $0x1BF5;
	p2 =	por !p2, p0  }
0x20: {  	[sflag:s8] =	ssyncset.s32 @!p0 $0xFFFFF086;
	s6 =	sadd.s32 @!p0 s3, s7;
	s7 =	simm.s32 @!p0 $0x108  }
0x21: {  	s3 =	sadd.s32 s3, s9;
	s6 =	sadd.s32 @!p0 $0x88, s6;
	s7 =	simm.s32 @p2 $0x1082  }
0x22: {  	[simem:s7], [sflag:s8] =	dma.local @!p0 [hbm:s6], $0xF7A  }
0x23: {  	s9 =	sor.u32 $0xD0000000, s2;
	s6 =	simm.s32 $0x108;
	_ =	swait.ge @!p0 [sflag:s8], $0x0  }
0x24: {  	s3 =	sadd.s32 $0x88, s3;
	s6 =	simm.s32 @!p1 $0x1082;
	[sflag:s4] =	ssyncset.s32 $0xFFFFF086  }
0x25: {  	[simem:s6], [sflag:s4] =	dma.local [hbm:s3], $0xF7A  }
0x26: {  	[smem:$0x3F9B] =	sst s1;
	(tag) =	ssettag s2;
	_ =	strace s9  }
0x27: {  	s1 =	sld [smem:$0x3FAB]  }
0x28: {  	s2 =	sld [smem:$0x3FAC]  }
0x29: {  	s4 =	sld [smem:$0x3FAE]  }
0x2a: {  	p0 =	seq.s32 s5, $0x0;
	s5 =	sld [smem:$0x3FAF]  }
0x2b: {  	s6 =	sld [smem:$0x3FB0]  }
0x2c: {  	s7 =	sld [smem:$0x3FB1]  }
0x2d: {  	s3 =	simm.s32 $0x108;
	s8 =	sld [smem:$0x3FB2]  }
0x2e: {  	s3 =	simm.s32 @!p0 $0x1082;
	s9 =	sld [smem:$0x3FB3]  }
0x2f: {  	lr =	sadd.s32 s0, s3;
	s0 =	sld [smem:$0x3FAA]  }
0x30: {  	s3 =	sld [smem:$0x3FAD]  }
0x31: {  	[smem:$0x3FB6] =	sst s10  }
0x32: {  	s10 =	sld [smem:$0x3FB4];
	_ =	sdelay $0x3  }
0x33: {  	p0 =	seq.s32 s10, $0x1;
	s10 =	sld [smem:$0x3FB6];
	_ =	sdelay $0x3  }
0x34: {  	[smem:$0x3FB6] =	sst s10  }
0x35: {  	s10 =	sld [smem:$0x3FB5];
	_ =	sdelay $0x3  }
0x36: {  	p1 =	seq.s32 s10, $0x1;
	s10 =	sld [smem:$0x3FB6];
	_ =	sdelay $0x3  }
0x37: {  	[smem:$0x3FB6] =	sst s10  }
0x38: {  	s10 =	sld [smem:$0x3FB7]  }
0x39: {  	_ = 	snop;
	(pc) =	sbr.ind lr, $3  }
0x3a: {  	_ = 	snop  }
0x3b: {  	_ = 	snop  }
0x3c: {  	p2 =	seq.s32 s10, $0x1;
	s10 =	sld [smem:$0x3FB6]  }
0x3d: {  	_ =	shalt  }
0x3e: {  	_ =	shalt  }
0x3f: {  	_ =	shalt  }
0x40: {  	_ =	shalt  }
0x41: {  	_ =	shalt  }
0x42: {  	_ =	shalt  }
0x43: {  	_ =	shalt  }
0x44: {  	_ =	shalt  }
0x45: {  	_ =	shalt  }
0x46: {  	_ =	shalt  }
0x47: {  	_ =	shalt  }
0x48: {  	_ =	shalt  }
0x49: {  	_ =	shalt  }
0x4a: {  	_ =	shalt  }
0x4b: {  	_ =	shalt  }
0x4c: {  	_ =	shalt  }
0x4d: {  	_ =	shalt  }
0x4e: {  	_ =	shalt  }
0x4f: {  	_ =	shalt  }
0x50: {  	_ =	shalt  }
0x51: {  	_ =	shalt  }
0x52: {  	_ =	shalt  }
0x53: {  	_ =	shalt  }
0x54: {  	_ =	shalt  }
0x55: {  	_ =	shalt  }
0x56: {  	_ =	shalt  }
0x57: {  	_ =	shalt  }
0x58: {  	_ =	shalt  }
0x59: {  	_ =	shalt  }
0x5a: {  	_ =	shalt  }
0x5b: {  	_ =	shalt  }
0x5c: {  	_ =	shalt  }
0x5d: {  	_ =	shalt  }
0x5e: {  	_ =	shalt  }
0x5f: {  	_ =	shalt  }
0x60: {  	_ =	shalt  }
0x61: {  	_ =	shalt  }
0x62: {  	_ =	shalt  }
0x63: {  	_ =	shalt  }
0x64: {  	_ =	shalt  }
0x65: {  	_ =	shalt  }
0x66: {  	_ =	shalt  }
0x67: {  	_ =	shalt  }
0x68: {  	_ =	shalt  }
0x69: {  	_ =	shalt  }
0x6a: {  	_ =	shalt  }
0x6b: {  	_ =	shalt  }
0x6c: {  	_ =	shalt  }
0x6d: {  	_ =	shalt  }
0x6e: {  	_ =	shalt  }
0x6f: {  	_ =	shalt  }
0x70: {  	_ =	shalt  }
0x71: {  	_ =	shalt  }
0x72: {  	_ =	shalt  }
0x73: {  	_ =	shalt  }
0x74: {  	_ =	shalt  }
0x75: {  	_ =	shalt  }
0x76: {  	_ =	shalt  }
0x77: {  	_ =	shalt  }
0x78: {  	_ =	shalt  }
0x79: {  	_ =	shalt  }
0x7a: {  	_ =	shalt  }
0x7b: {  	_ =	shalt  }
0x7c: {  	_ =	shalt  }
0x7d: {  	_ =	shalt  }
0x7e: {  	_ =	shalt  }
0x7f: {  	_ =	shalt  }
0x80: {  	_ =	shalt  }
0x81: {  	_ =	shalt  }
0x82: {  	_ =	shalt  }
0x83: {  	_ =	shalt  }
0x84: {  	_ =	shalt  }
0x85: {  	_ =	shalt  }
0x86: {  	_ =	shalt  }
0x87: {  	_ =	shalt  }
.Lfunc_end0:
.L_simem_size_0:
called_computation.1_lowered:
.L_overlay_start_0:
0x88: {  	s2 =	sld [smem:$0x3FD9]  }
0x89: {  	s3 =	sld [smem:$0x3FFE];
	_ =	sdelay $0x1  }
0x8a: {  	s1 =	srdreg.scid  }
0x8b: {  	s0 =	sand.u32 $0x1, s1  }
0x8c: {  	s14 =	sshll.u32 s0, $0xA;
	s2 =	sadd.s32 s3, s2  }
0x8d: {  	s2 =	sadd.s32 s2, s14  }
0x8e: {  	[smem:$0x3FC2] =	sst s2  }
0x8f: {  	_ = 	snop  }
0x90: {  	s2 =	sld [smem:$0x3FD0];
	_ =	sdelay $0x2  }
0x91: {  	s15 =	simm.s32 $0xA;
	s4 =	simm.s32 $0x10  }
0x92: {  	[smem:s4], [sflag:s15] =	dma.local [hbm:s2], $0x1  }
0x93: {  	_ =	swait.eq [sflag:s15], $0x1  }
0x94: {  	s16 =	sld [smem:$0x10]  }
0x95: {  	s17 =	sld [smem:$0x11]  }
0x96: {  	s5 =	sld [smem:$0x12];
	[sflag:s15] =	ssyncset.done $0x0  }
0x97: {  	s6 =	sld [smem:$0x13];
	[sflag:s15] =	ssyncadd.s32 $0xFFFFFFFF  }
0x98: {  	s18 =	sld [smem:$0x14];
	(tm) =	ssettm $0x1  }
0x99: {  	s7 =	sld [smem:$0x3FFB];
	_ =	sdelay $0x3  }
0x9a: {  	_ =	strace s7  }
0x9b: {  	s7 =	sld [smem:$0x3FFC];
	_ =	sdelay $0x3  }
0x9c: {  	_ =	strace s7  }
0x9d: {  	s7 =	sld [smem:$0x3FFD];
	_ =	sdelay $0x3  }
0x9e: {  	_ =	strace s7  }
0x9f: {  	_ =	strace $0x8FFFFFFF  }
0xa0: {  	s19 =	sld [smem:$0x3FDB];
	_ =	sdelay $0x1  }
0xa1: {  	s8 =	simm.s32 $_scs_section_size  }
0xa2: {  	s9 =	simm.s32 $_size__tile_overlayer_lowered;
	s10 =	simm.s32 $_tile_overlayer_lowered  }
0xa3: {  	s22 =	simm.s32 $0x1BFF;
	s21 =	sshll.u32 s10, $0x1;
	s7 =	sadd.s32 s8, s19  }
0xa4: {  	s11 =	simm.s32 $0x0;
	s20 =	sshll.u32 s9, $0x1;
	s9 =	sadd.s32 s21, s7  }
0xa5: {  	[timem:s11], [sflag:s22] =	dma.local [hbm:s9], s20  }
0xa6: {  	_ =	swait.ge [sflag:s22], s20  }
0xa7: {  	s8 =	ssub.s32 $0x0, s20;
	[sflag:s22] =	ssyncset.done $0x0  }
0xa8: {  	[sflag:s22] =	ssyncadd.s32 s8;
	_ =	sdelay $0x1  }
0xa9: {  	s23 =	simm.s32 $0x1B8B  }
0xaa: {  	_ =	swait.ge [sflag:s23], $0x1  }
0xab: {  	[sflag:s23] =	ssyncset.done $0x0  }
0xac: {  	s25 =	simm.s32 $0x1B8E;
	s24 =	sld [smem:$0x3FFE];
	[sflag:s23] =	ssyncadd.s32 $0xFFFFFFFF  }
0xad: {  	s26 =	simm.s32 $execute0_lowered;
	[smem:$0x3FD2] =	sst s25  }
0xae: {  	s9 =	sshll.u32 s26, $0x1;
	_ =	strace $0x80000049;
	[dreg:$0x1] =	wrdreg $0xFFFFFFFF  }
0xaf: {  	s28 =	simm.s32 $_size_execute0_lowered;
	s7 =	sadd.s32 s7, s9;
	[dreg:$0x0] =	wrdreg $0x0  }
0xb0: {  	s9 =	sshll.u32 s28, $0x1;
	[dreg:$0x2] =	wrdreg s7  }
0xb1: {  	[dreg:$0x3] =	wrdreg s9  }
0xb2: {  	[dreg:$0x4] =	wrdreg $0xC0  }
0xb3: {  	_ =	task [dreg:s11], $0x5FFFF  }
0xb4: {  	[dreg:$0x1] =	wrdreg $0xFFFFFFFF  }
0xb5: {  	[dreg:$0x0] =	wrdreg $0x60  }
0xb6: {  	[dreg:$0x2] =	wrdreg s24  }
0xb7: {  	[dreg:$0x3] =	wrdreg s18  }
0xb8: {  	[dreg:$0x4] =	wrdreg s6  }
0xb9: {  	[dreg:$0x5] =	wrdreg s5  }
0xba: {  	[dreg:$0x6] =	wrdreg s17  }
0xbb: {  	[dreg:$0x7] =	wrdreg s16  }
0xbc: {  	[dreg:$0x8] =	wrdreg $0x9  }
0xbd: {  	_ =	task.clear_ibuf [dreg:s11], $0x9FFFF;
	_ =	strace $0x90000049  }
0xbe: {  	s29 =	simm.s32 $0x9;
	_ =	strace $0x8000004B  }
0xbf: {  	_ =	swait.ge [sflag:s29], $0x1  }
0xc0: {  	[sflag:s29] =	ssyncadd.s32 $0xFFFFFFFF  }
0xc1: {  	_ =	strace $0x9000004B  }
0xc2: {  	_ =	sfence  }
0xc3: {  	s30 =	sld [smem:$0x0];
	_ =	sdelay $0x2  }
0xc4: {  	s31 =	sshll.u32 s1, $0xD;
	s1 =	sshrl.u32 s1, $0x2  }
0xc5: {  	s3 =	sand.u32 $0x4000, s31;
	s1 =	sadd.s32 s1, s30  }
0xc6: {  	s0 =	sor.u32 s3, s0;
	s1 =	sshll.u32 s1, $0x11  }
0xc7: {  	s0 =	sor.u32 s1, s0  }
0xc8: {  	s0 =	sadd.s32 $0x8F2B, s0  }
0xc9: {  	[sflag:s0] =	ssyncadd.remote.s32 $0x1  }
0xca: {  	_ =	sfence.sel $0xFFFF  }
0xcb: {  	[dreg:$0x0] =	wrdreg $0xFFFFFFFF;
	(pc) =	sbr.abs _section_cstart, $3  }
0xcc: {  	[dreg:$0x1] =	wrdreg $0xFFFFFFFF  }
0xcd: {  	_ =	task.clear_ibuf [dreg:s11], $0x2FFFF;
	_ =	strace $0x9FFFFFFF  }
0xce: {  	(tm) =	ssettm $0x7FFFFFFF  }
0xcf: {  	_ =	shalt  }
tec
execute0_lowered:
.L_overlay_start_1:
0x0: {  	(tag) =	ssettag $0x1  }
0x1: {  	s28 =	rddreg [dreg:$0x0]  }
0x2: {  	s1 =	rddreg [dreg:$0x1]  }
0x3: {  	s3 =	rddreg [dreg:$0x2]  }
0x4: {  	s4 =	rddreg [dreg:$0x3]  }
0x5: {  	s5 =	rddreg [dreg:$0x4]  }
0x6: {  	s6 =	rddreg [dreg:$0x5];
	s0 =	srdreg.scid  }
0x7: {  	s2 =	stileid.u32;
	s7 =	simm.s32 $0x0;
	s0 =	sand.u32 $0x1, s0  }
0x8: {  	s2 =	sshll.u32 s2, $0xA;
	[smem:$0x7FF] =	sst s7;
	s23 =	sadd.s32 $0x4E00, s28  }
0x9: {  	s10 =	sadd.s32 $0x25600, s28;
	[dreg:$0x18] =	wrdreg s0;
	s8 =	sshll.u32 s0, $0x9  }
0xa: {  	s17 =	sadd.s32 $0x45600, s28;
	s2 =	sor.u32 s8, s2;
	_ =	strace $0x8000004A  }
0xb: {  	s9 =	sshrl.u32 s2, $0x3;
	s11 =	sor.u32 $0x80, s2;
	s12 =	sor.u32 $0x100, s2  }
0xc: {  	s14 =	sor.u32 $0x180, s2;
	s2 =	sshll.u32 s2, $0x3;
	s9 =	sadd.s32 s23, s9  }
0xd: {  	s24 =	sshrl.u32 s11, $0x3;
	s0 =	sadd.s32 s10, s2;
	[dreg:$0x7] =	wrdreg s9  }
0xe: {  	s13 =	sshrl.u32 s12, $0x3;
	s19 =	sadd.s32 s17, s2;
	[dreg:$0xb] =	wrdreg s0  }
0xf: {  	s26 =	sshrl.u32 s14, $0x3;
	s9 =	sadd.s32 s23, s24;
	[dreg:$0x13] =	wrdreg s19  }
0x10: {  	s29 =	sshll.u32 s11, $0x3;
	s25 =	sadd.s32 s23, s13;
	[dreg:$0x8] =	wrdreg s9  }
0x11: {  	s30 =	sshll.u32 s12, $0x3;
	s8 =	sadd.s32 s23, s26;
	[dreg:$0x9] =	wrdreg s25  }
0x12: {  	s31 =	sshll.u32 s14, $0x3;
	s11 =	sadd.s32 s10, s30;
	[dreg:$0xa] =	wrdreg s8  }
0x13: {  	s12 =	sadd.s32 $0x5600, s28;
	s13 =	sadd.s32 s10, s31;
	[dreg:$0xd] =	wrdreg s11  }
0x14: {  	s14 =	sadd.s32 s12, s2;
	[dreg:$0xe] =	wrdreg s13  }
0x15: {  	s15 =	sadd.s32 s12, s29;
	[dreg:$0xf] =	wrdreg s14  }
0x16: {  	s16 =	sadd.s32 s12, s30;
	[dreg:$0x10] =	wrdreg s15  }
0x17: {  	s18 =	sadd.s32 s12, s31;
	[dreg:$0x11] =	wrdreg s16  }
0x18: {  	s20 =	sadd.s32 s17, s29;
	[dreg:$0x12] =	wrdreg s18  }
0x19: {  	[dreg:$0x14] =	wrdreg s20  }
0x1a: {  	s21 =	sadd.s32 s17, s30;
	s22 =	rddreg [dreg:$0x7]  }
0x1b: {  	s9 =	sadd.s32 s10, s29;
	[dreg:$0x15] =	wrdreg s21  }
0x1c: {  	[dreg:$0xc] =	wrdreg s9  }
0x1d: {  	s23 =	rddreg [dreg:$0x8]  }
0x1e: {  	[tilespmem:s7], [sflag:$0x1] =	stream.linear.gather [hbm4b:s22+s7], $0x80, $0x38;
	[tilespmem:$0x8200] =	vst v63  }
0x1f: {  	s8 =	simm.s32 $0x80;
	s24 =	rddreg [dreg:$0x9]  }
0x20: {  	[tilespmem:s8], [sflag:$0x1] =	stream.linear.gather [hbm4b:s23+s7], $0x80, $0x38;
	[tilespmem:$0x8200] =	vst v63  }
0x21: {  	s10 =	sadd.s32 s17, s31;
	s9 =	simm.s32 $0x100;
	s25 =	rddreg [dreg:$0xa]  }
0x22: {  	[tilespmem:s9], [sflag:$0x1] =	stream.linear.gather [hbm4b:s24+s7], $0x80, $0x38;
	[tilespmem:$0x8200] =	vst v63  }
0x23: {  	s11 =	simm.s32 $0x1;
	[dreg:$0x16] =	wrdreg s10;
	s10 =	simm.s32 $0x180  }
0x24: {  	[tilespmem:s10], [sflag:$0x1] =	stream.linear.gather [hbm4b:s25+s7], $0x80, $0x38;
	[tilespmem:$0x8200] =	vst v63  }
0x25: {  	_ =	swait.ge [sflag:s11], $0x80  }
0x26: {  	[sflag:s11] =	ssyncset.done $0x0  }
0x27: {  	[sflag:s11] =	ssyncadd.s32 $0xFFFFFF80  }
0x28: {  	_ =	swait.ge [sflag:s11], $0x80  }
0x29: {  	[sflag:s11] =	ssyncset.done $0x0  }
0x2a: {  	[sflag:s11] =	ssyncadd.s32 $0xFFFFFF80  }
0x2b: {  	_ =	swait.ge [sflag:s11], $0x80  }
0x2c: {  	[sflag:s11] =	ssyncset.done $0x0  }
0x2d: {  	[sflag:s11] =	ssyncadd.s32 $0xFFFFFF80  }
0x2e: {  	_ =	swait.ge [sflag:s11], $0x80  }
0x2f: {  	[sflag:s11] =	ssyncset.done $0x0  }
0x30: {  	s12 =	simm.s32 $0x200;
	[sflag:s11] =	ssyncadd.s32 $0xFFFFFF80  }
0x31: {  	[tilespmem:s12], [sflag:$0x1] =	stream.indirect.gather [hbm4b:s1+s8], $0x40, s7, s8, $0xb8;
	[tilespmem:$0x8200] =	vst v63  }
0x32: {  	s13 =	simm.s32 $0x2200  }
0x33: {  	[tilespmem:s13], [sflag:$0x2] =	stream.indirect.gather [hbm4b:s1+s8], $0x40, s8, s8, $0xb8;
	[tilespmem:$0x8200] =	vst v63  }
0x34: {  	s14 =	simm.s32 $0x4200  }
0x35: {  	[tilespmem:s14], [sflag:$0x3] =	stream.indirect.gather [hbm4b:s1+s8], $0x40, s9, s8, $0xb8;
	[tilespmem:$0x8200] =	vst v63  }
0x36: {  	s15 =	simm.s32 $0x6200  }
0x37: {  	[tilespmem:s15], [sflag:$0x4] =	stream.indirect.gather [hbm4b:s1+s8], $0x40, s10, s8, $0xb8;
	[tilespmem:$0x8200] =	vst v63  }
0x38: {  	_ =	swait.ge [sflag:s11], $0x2000  }
0x39: {  	[sflag:s11] =	ssyncset.done $0x0  }
0x3a: {  	s16 =	simm.s32 $0x5;
	s17 =	rddreg [dreg:$0xb];
	[sflag:s11] =	ssyncadd.s32 $0xFFFFE000  }
0x3b: {  	[hbm4b:s17+s7] =	stream.linear.scatter [tilespmem:s12], [sflag:$0x5], $0x2000, $0x38;
	[tilespmem:$0x8200] =	vst v63  }
0x3c: {  	_ =	swait.ge [sflag:s16], $0x2000  }
0x3d: {  	[sflag:s16] =	ssyncset.done $0x0  }
0x3e: {  	s17 =	simm.s32 $0x2;
	[sflag:s16] =	ssyncadd.s32 $0xFFFFE000  }
0x3f: {  	[tilespmem:s12], [sflag:$0x1] =	stream.indirect.gather [hbm4b:s3+s8], $0x40, s7, s8, $0xb8;
	[tilespmem:$0x8200] =	vst v63  }
0x40: {  	_ =	swait.ge [sflag:s17], $0x2000  }
0x41: {  	[sflag:s17] =	ssyncset.done $0x0  }
0x42: {  	s18 =	simm.s32 $0x6;
	s19 =	rddreg [dreg:$0xc];
	[sflag:s17] =	ssyncadd.s32 $0xFFFFE000  }
0x43: {  	[hbm4b:s19+s7] =	stream.linear.scatter [tilespmem:s13], [sflag:$0x6], $0x2000, $0x38;
	[tilespmem:$0x8200] =	vst v63  }
0x44: {  	_ =	swait.ge [sflag:s18], $0x2000  }
0x45: {  	[sflag:s18] =	ssyncset.done $0x0  }
0x46: {  	s19 =	simm.s32 $0x3;
	[sflag:s18] =	ssyncadd.s32 $0xFFFFE000  }
0x47: {  	[tilespmem:s13], [sflag:$0x2] =	stream.indirect.gather [hbm4b:s3+s8], $0x40, s8, s8, $0xb8;
	[tilespmem:$0x8200] =	vst v63  }
0x48: {  	_ =	swait.ge [sflag:s19], $0x2000  }
0x49: {  	[sflag:s19] =	ssyncset.done $0x0  }
0x4a: {  	s20 =	rddreg [dreg:$0xd];
	[sflag:s19] =	ssyncadd.s32 $0xFFFFE000  }
0x4b: {  	[hbm4b:s20+s7] =	stream.linear.scatter [tilespmem:s14], [sflag:$0x7], $0x2000, $0x38;
	[tilespmem:$0x8200] =	vst v63  }
0x4c: {  	s20 =	simm.s32 $0x7  }
0x4d: {  	_ =	swait.ge [sflag:s20], $0x2000  }
0x4e: {  	[sflag:s20] =	ssyncset.done $0x0  }
0x4f: {  	s21 =	simm.s32 $0x4;
	[sflag:s20] =	ssyncadd.s32 $0xFFFFE000  }
0x50: {  	[tilespmem:s14], [sflag:$0x3] =	stream.indirect.gather [hbm4b:s3+s8], $0x40, s9, s8, $0xb8;
	[tilespmem:$0x8200] =	vst v63  }
0x51: {  	_ =	swait.ge [sflag:s21], $0x2000  }
0x52: {  	[sflag:s21] =	ssyncset.done $0x0  }
0x53: {  	s22 =	rddreg [dreg:$0xe];
	[sflag:s21] =	ssyncadd.s32 $0xFFFFE000  }
0x54: {  	[hbm4b:s22+s7] =	stream.linear.scatter [tilespmem:s15], [sflag:$0x8], $0x2000, $0x38;
	[tilespmem:$0x8200] =	vst v63  }
0x55: {  	s22 =	simm.s32 $0x8  }
0x56: {  	_ =	swait.ge [sflag:s22], $0x2000  }
0x57: {  	[sflag:s22] =	ssyncset.done $0x0  }
0x58: {  	[sflag:s22] =	ssyncadd.s32 $0xFFFFE000  }
0x59: {  	[tilespmem:s15], [sflag:$0x4] =	stream.indirect.gather [hbm4b:s3+s8], $0x40, s10, s8, $0xb8;
	[tilespmem:$0x8200] =	vst v63  }
0x5a: {  	_ =	swait.ge [sflag:s11], $0x2000  }
0x5b: {  	[sflag:s11] =	ssyncset.done $0x0  }
0x5c: {  	s23 =	rddreg [dreg:$0xf];
	[sflag:s11] =	ssyncadd.s32 $0xFFFFE000  }
0x5d: {  	[hbm4b:s23+s7] =	stream.linear.scatter [tilespmem:s12], [sflag:$0x5], $0x2000, $0x38;
	[tilespmem:$0x8200] =	vst v63  }
0x5e: {  	_ =	swait.ge [sflag:s16], $0x2000  }
0x5f: {  	[sflag:s16] =	ssyncset.done $0x0  }
0x60: {  	[sflag:s16] =	ssyncadd.s32 $0xFFFFE000  }
0x61: {  	[tilespmem:s12], [sflag:$0x1] =	stream.indirect.gather [hbm4b:s4+s8], $0x40, s7, s8, $0xb8;
	[tilespmem:$0x8200] =	vst v63  }
0x62: {  	_ =	swait.ge [sflag:s17], $0x2000  }
0x63: {  	[sflag:s17] =	ssyncset.done $0x0  }
0x64: {  	s26 =	rddreg [dreg:$0x10];
	[sflag:s17] =	ssyncadd.s32 $0xFFFFE000  }
0x65: {  	[hbm4b:s26+s7] =	stream.linear.scatter [tilespmem:s13], [sflag:$0x6], $0x2000, $0x38;
	[tilespmem:$0x8200] =	vst v63  }
0x66: {  	_ =	swait.ge [sflag:s18], $0x2000  }
0x67: {  	[sflag:s18] =	ssyncset.done $0x0  }
0x68: {  	[sflag:s18] =	ssyncadd.s32 $0xFFFFE000  }
0x69: {  	[tilespmem:s13], [sflag:$0x2] =	stream.indirect.gather [hbm4b:s4+s8], $0x40, s8, s8, $0xb8;
	[tilespmem:$0x8200] =	vst v63  }
0x6a: {  	_ =	swait.ge [sflag:s19], $0x2000  }
0x6b: {  	[sflag:s19] =	ssyncset.done $0x0  }
0x6c: {  	s0 =	rddreg [dreg:$0x11];
	[sflag:s19] =	ssyncadd.s32 $0xFFFFE000  }
0x6d: {  	[hbm4b:s0+s7] =	stream.linear.scatter [tilespmem:s14], [sflag:$0x7], $0x2000, $0x38;
	[tilespmem:$0x8200] =	vst v63  }
0x6e: {  	_ =	swait.ge [sflag:s20], $0x2000  }
0x6f: {  	[sflag:s20] =	ssyncset.done $0x0  }
0x70: {  	[sflag:s20] =	ssyncadd.s32 $0xFFFFE000  }
0x71: {  	[tilespmem:s14], [sflag:$0x3] =	stream.indirect.gather [hbm4b:s4+s8], $0x40, s9, s8, $0xb8;
	[tilespmem:$0x8200] =	vst v63  }
0x72: {  	_ =	swait.ge [sflag:s21], $0x2000  }
0x73: {  	[sflag:s21] =	ssyncset.done $0x0  }
0x74: {  	s24 =	rddreg [dreg:$0x12];
	[sflag:s21] =	ssyncadd.s32 $0xFFFFE000  }
0x75: {  	[hbm4b:s24+s7] =	stream.linear.scatter [tilespmem:s15], [sflag:$0x8], $0x2000, $0x38;
	[tilespmem:$0x8200] =	vst v63  }
0x76: {  	_ =	swait.ge [sflag:s22], $0x2000  }
0x77: {  	[sflag:s22] =	ssyncset.done $0x0  }
0x78: {  	[sflag:s22] =	ssyncadd.s32 $0xFFFFE000  }
0x79: {  	[tilespmem:s15], [sflag:$0x4] =	stream.indirect.gather [hbm4b:s4+s8], $0x40, s10, s8, $0xb8;
	[tilespmem:$0x8200] =	vst v63  }
0x7a: {  	_ =	swait.ge [sflag:s11], $0x2000  }
0x7b: {  	[sflag:s11] =	ssyncset.done $0x0  }
0x7c: {  	s25 =	rddreg [dreg:$0x13];
	[sflag:s11] =	ssyncadd.s32 $0xFFFFE000  }
0x7d: {  	[hbm4b:s25+s7] =	stream.linear.scatter [tilespmem:s12], [sflag:$0x5], $0x2000, $0x38;
	[tilespmem:$0x8200] =	vst v63  }
0x7e: {  	_ =	swait.ge [sflag:s16], $0x2000  }
0x7f: {  	[sflag:s16] =	ssyncset.done $0x0  }
0x80: {  	[sflag:s16] =	ssyncadd.s32 $0xFFFFE000  }
0x81: {  	[tilespmem:s12], [sflag:$0x1] =	stream.indirect.gather [hbm4b:s5+s8], $0x40, s7, s8, $0xb8;
	[tilespmem:$0x8200] =	vst v63  }
0x82: {  	_ =	swait.ge [sflag:s17], $0x2000  }
0x83: {  	[sflag:s17] =	ssyncset.done $0x0  }
0x84: {  	s26 =	rddreg [dreg:$0x14];
	[sflag:s17] =	ssyncadd.s32 $0xFFFFE000  }
0x85: {  	[hbm4b:s26+s7] =	stream.linear.scatter [tilespmem:s13], [sflag:$0x6], $0x2000, $0x38;
	[tilespmem:$0x8200] =	vst v63  }
0x86: {  	_ =	swait.ge [sflag:s18], $0x2000  }
0x87: {  	[sflag:s18] =	ssyncset.done $0x0  }
0x88: {  	[sflag:s18] =	ssyncadd.s32 $0xFFFFE000  }
0x89: {  	[tilespmem:s13], [sflag:$0x2] =	stream.indirect.gather [hbm4b:s5+s8], $0x40, s8, s8, $0xb8;
	[tilespmem:$0x8200] =	vst v63  }
0x8a: {  	_ =	swait.ge [sflag:s19], $0x2000  }
0x8b: {  	[sflag:s19] =	ssyncset.done $0x0  }
0x8c: {  	s0 =	rddreg [dreg:$0x15];
	[sflag:s19] =	ssyncadd.s32 $0xFFFFE000  }
0x8d: {  	[hbm4b:s0+s7] =	stream.linear.scatter [tilespmem:s14], [sflag:$0x7], $0x2000, $0x38;
	[tilespmem:$0x8200] =	vst v63  }
0x8e: {  	_ =	swait.ge [sflag:s20], $0x2000  }
0x8f: {  	[sflag:s20] =	ssyncset.done $0x0  }
0x90: {  	[sflag:s20] =	ssyncadd.s32 $0xFFFFE000  }
0x91: {  	[tilespmem:s14], [sflag:$0x3] =	stream.indirect.gather [hbm4b:s5+s8], $0x40, s9, s8, $0xb8;
	[tilespmem:$0x8200] =	vst v63  }
0x92: {  	_ =	swait.ge [sflag:s21], $0x2000  }
0x93: {  	[sflag:s21] =	ssyncset.done $0x0  }
0x94: {  	s24 =	rddreg [dreg:$0x16];
	[sflag:s21] =	ssyncadd.s32 $0xFFFFE000  }
0x95: {  	[hbm4b:s24+s7] =	stream.linear.scatter [tilespmem:s15], [sflag:$0x8], $0x2000, $0x38;
	[tilespmem:$0x8200] =	vst v63  }
0x96: {  	_ =	swait.ge [sflag:s22], $0x2000  }
0x97: {  	[sflag:s22] =	ssyncset.done $0x0  }
0x98: {  	[sflag:s22] =	ssyncadd.s32 $0xFFFFE000  }
0x99: {  	[tilespmem:s15], [sflag:$0x4] =	stream.indirect.gather [hbm4b:s5+s8], $0x40, s10, s8, $0xb8;
	[tilespmem:$0x8200] =	vst v63  }
0x9a: {  	s26 =	sadd.s32 $0x65600, s28;
	_ =	swait.ge [sflag:s11], $0x2000  }
0x9b: {  	s25 =	sadd.s32 s26, s2;
	[sflag:s11] =	ssyncset.done $0x0  }
0x9c: {  	[dreg:$0x17] =	wrdreg s25;
	[sflag:s11] =	ssyncadd.s32 $0xFFFFE000  }
0x9d: {  	[hbm4b:s25+s7] =	stream.linear.scatter [tilespmem:s12], [sflag:$0x5], $0x2000, $0x38;
	[tilespmem:$0x8200] =	vst v63  }
0x9e: {  	_ =	swait.ge [sflag:s16], $0x2000  }
0x9f: {  	[sflag:s16] =	ssyncset.done $0x0  }
0xa0: {  	[sflag:s16] =	ssyncadd.s32 $0xFFFFE000  }
0xa1: {  	[tilespmem:s12], [sflag:$0x1] =	stream.indirect.gather [hbm4b:s6+s8], $0x40, s7, s8, $0xb8;
	[tilespmem:$0x8200] =	vst v63  }
0xa2: {  	_ =	swait.ge [sflag:s17], $0x2000  }
0xa3: {  	[sflag:s17] =	ssyncset.done $0x0  }
0xa4: {  	s24 =	sadd.s32 s26, s29;
	[sflag:s17] =	ssyncadd.s32 $0xFFFFE000  }
0xa5: {  	[hbm4b:s24+s7] =	stream.linear.scatter [tilespmem:s13], [sflag:$0x6], $0x2000, $0x38;
	[tilespmem:$0x8200] =	vst v63  }
0xa6: {  	_ =	swait.ge [sflag:s18], $0x2000  }
0xa7: {  	[sflag:s18] =	ssyncset.done $0x0  }
0xa8: {  	[sflag:s18] =	ssyncadd.s32 $0xFFFFE000  }
0xa9: {  	[tilespmem:s13], [sflag:$0x2] =	stream.indirect.gather [hbm4b:s6+s8], $0x40, s8, s8, $0xb8;
	[tilespmem:$0x8200] =	vst v63  }
0xaa: {  	_ =	swait.ge [sflag:s19], $0x2000  }
0xab: {  	[sflag:s19] =	ssyncset.done $0x0  }
0xac: {  	s25 =	sadd.s32 s26, s30;
	[sflag:s19] =	ssyncadd.s32 $0xFFFFE000  }
0xad: {  	[hbm4b:s25+s7] =	stream.linear.scatter [tilespmem:s14], [sflag:$0x7], $0x2000, $0x38;
	[tilespmem:$0x8200] =	vst v63  }
0xae: {  	_ =	swait.ge [sflag:s20], $0x2000  }
0xaf: {  	[sflag:s20] =	ssyncset.done $0x0  }
0xb0: {  	[sflag:s20] =	ssyncadd.s32 $0xFFFFE000  }
0xb1: {  	[tilespmem:s14], [sflag:$0x3] =	stream.indirect.gather [hbm4b:s6+s8], $0x40, s9, s8, $0xb8;
	[tilespmem:$0x8200] =	vst v63  }
0xb2: {  	_ =	swait.ge [sflag:s21], $0x2000  }
0xb3: {  	[sflag:s21] =	ssyncset.done $0x0  }
0xb4: {  	s26 =	sadd.s32 s26, s31;
	[sflag:s21] =	ssyncadd.s32 $0xFFFFE000  }
0xb5: {  	[hbm4b:s26+s7] =	stream.linear.scatter [tilespmem:s15], [sflag:$0x8], $0x2000, $0x38;
	[tilespmem:$0x8200] =	vst v63  }
0xb6: {  	_ =	swait.ge [sflag:s22], $0x2000  }
0xb7: {  	[sflag:s22] =	ssyncset.done $0x0  }
0xb8: {  	[sflag:s22] =	ssyncadd.s32 $0xFFFFE000  }
0xb9: {  	[tilespmem:s15], [sflag:$0x4] =	stream.indirect.gather [hbm4b:s6+s8], $0x40, s10, s8, $0xb8;
	[tilespmem:$0x8200] =	vst v63  }
0xba: {  	_ =	swait.ge [sflag:s11], $0x2000  }
0xbb: {  	s23 =	sadd.s32 $0x85600, s28;
	[sflag:s11] =	ssyncset.done $0x0  }
0xbc: {  	s28 =	sadd.s32 s23, s2;
	[sflag:s11] =	ssyncadd.s32 $0xFFFFE000  }
0xbd: {  	[hbm4b:s28+s7] =	stream.linear.scatter [tilespmem:s12], [sflag:$0x5], $0x2000, $0x38;
	[tilespmem:$0x8200] =	vst v63  }
0xbe: {  	_ =	swait.ge [sflag:s17], $0x2000  }
0xbf: {  	[sflag:s17] =	ssyncset.done $0x0  }
0xc0: {  	s29 =	sadd.s32 s23, s29;
	[sflag:s17] =	ssyncadd.s32 $0xFFFFE000  }
0xc1: {  	[hbm4b:s29+s7] =	stream.linear.scatter [tilespmem:s13], [sflag:$0x6], $0x2000, $0x38;
	[tilespmem:$0x8200] =	vst v63  }
0xc2: {  	_ =	swait.ge [sflag:s19], $0x2000  }
0xc3: {  	[sflag:s19] =	ssyncset.done $0x0  }
0xc4: {  	s30 =	sadd.s32 s23, s30;
	[sflag:s19] =	ssyncadd.s32 $0xFFFFE000  }
0xc5: {  	[hbm4b:s30+s7] =	stream.linear.scatter [tilespmem:s14], [sflag:$0x7], $0x2000, $0x38;
	[tilespmem:$0x8200] =	vst v63  }
0xc6: {  	_ =	swait.ge [sflag:s21], $0x2000  }
0xc7: {  	[sflag:s21] =	ssyncset.done $0x0  }
0xc8: {  	s31 =	sadd.s32 s23, s31;
	[sflag:s21] =	ssyncadd.s32 $0xFFFFE000  }
0xc9: {  	[hbm4b:s31+s7] =	stream.linear.scatter [tilespmem:s15], [sflag:$0x8], $0x2000, $0x38;
	[tilespmem:$0x8200] =	vst v63  }
0xca: {  	_ =	swait.ge [sflag:s16], $0x2000  }
0xcb: {  	[sflag:s16] =	ssyncset.done $0x0  }
0xcc: {  	[sflag:s16] =	ssyncadd.s32 $0xFFFFE000  }
0xcd: {  	_ =	swait.ge [sflag:s18], $0x2000  }
0xce: {  	s2 =	rddreg [dreg:$0x18]  }
0xcf: {  	s0 =	ssub.s32 $0x2, s2  }
0xd0: {  	s23 =	sshrl.u32 s0, $0x1  }
0xd1: {  	s0 =	ssub.s32 s0, s23  }
0xd2: {  	s0 =	smax.u32 s0, $0x1  }
0xd3: {  	[sflag:s18] =	ssyncset.done $0x0;
	p0 =	sne.s32 s0, $0x1  }
.Ltmp0:
0xd4: {  	[sflag:s18] =	ssyncadd.s32 $0xFFFFE000;
	(pc) =	sbr.rel @!p0 .LBB2_2-.Ltmp0, $4  }
0xd5: {  	_ =	swait.ge [sflag:s20], $0x2000  }
0xd6: {  	[sflag:s20] =	ssyncset.done $0x0  }
0xd7: {  	[sflag:s20] =	ssyncadd.s32 $0xFFFFE000  }
0xd8: {  	s0 =	sadd.s32 $0xFFFFFFFF, s0;
	_ =	swait.ge [sflag:s22], $0x2000  }
.LBB2_1:
0xd9: {  	[sflag:s22] =	ssyncset.done $0x0  }
0xda: {  	s2 =	rddreg [dreg:$0x7];
	[sflag:s22] =	ssyncadd.s32 $0xFFFFE000  }
0xdb: {  	[tilespmem:s7], [sflag:$0x1] =	stream.linear.gather [hbm4b:s2+s7], $0x80, $0x38;
	[tilespmem:$0x8200] =	vst v63  }
0xdc: {  	s23 =	rddreg [dreg:$0x8]  }
0xdd: {  	[tilespmem:s8], [sflag:$0x1] =	stream.linear.gather [hbm4b:s23+s7], $0x80, $0x38;
	[tilespmem:$0x8200] =	vst v63  }
0xde: {  	s2 =	rddreg [dreg:$0x9]  }
0xdf: {  	[tilespmem:s9], [sflag:$0x1] =	stream.linear.gather [hbm4b:s2+s7], $0x80, $0x38;
	[tilespmem:$0x8200] =	vst v63  }
0xe0: {  	s23 =	rddreg [dreg:$0xa]  }
0xe1: {  	[tilespmem:s10], [sflag:$0x1] =	stream.linear.gather [hbm4b:s23+s7], $0x80, $0x38;
	[tilespmem:$0x8200] =	vst v63  }
0xe2: {  	_ =	swait.ge [sflag:s11], $0x80  }
0xe3: {  	[sflag:s11] =	ssyncset.done $0x0  }
0xe4: {  	[sflag:s11] =	ssyncadd.s32 $0xFFFFFF80  }
0xe5: {  	_ =	swait.ge [sflag:s11], $0x80  }
0xe6: {  	[sflag:s11] =	ssyncset.done $0x0  }
0xe7: {  	[sflag:s11] =	ssyncadd.s32 $0xFFFFFF80  }
0xe8: {  	_ =	swait.ge [sflag:s11], $0x80  }
0xe9: {  	[sflag:s11] =	ssyncset.done $0x0  }
0xea: {  	[sflag:s11] =	ssyncadd.s32 $0xFFFFFF80  }
0xeb: {  	_ =	swait.ge [sflag:s11], $0x80  }
0xec: {  	[sflag:s11] =	ssyncset.done $0x0  }
0xed: {  	[sflag:s11] =	ssyncadd.s32 $0xFFFFFF80  }
0xee: {  	[tilespmem:s12], [sflag:$0x1] =	stream.indirect.gather [hbm4b:s1+s8], $0x40, s7, s8, $0xb8;
	[tilespmem:$0x8200] =	vst v63  }
0xef: {  	_ = 	snop  }
0xf0: {  	[tilespmem:s13], [sflag:$0x2] =	stream.indirect.gather [hbm4b:s1+s8], $0x40, s8, s8, $0xb8;
	[tilespmem:$0x8200] =	vst v63  }
0xf1: {  	_ = 	snop  }
0xf2: {  	[tilespmem:s14], [sflag:$0x3] =	stream.indirect.gather [hbm4b:s1+s8], $0x40, s9, s8, $0xb8;
	[tilespmem:$0x8200] =	vst v63  }
0xf3: {  	_ = 	snop  }
0xf4: {  	[tilespmem:s15], [sflag:$0x4] =	stream.indirect.gather [hbm4b:s1+s8], $0x40, s10, s8, $0xb8;
	[tilespmem:$0x8200] =	vst v63  }
0xf5: {  	_ =	swait.ge [sflag:s11], $0x2000  }
0xf6: {  	[sflag:s11] =	ssyncset.done $0x0  }
0xf7: {  	s23 =	rddreg [dreg:$0xb];
	[sflag:s11] =	ssyncadd.s32 $0xFFFFE000  }
0xf8: {  	[hbm4b:s23+s7] =	stream.linear.scatter [tilespmem:s12], [sflag:$0x5], $0x2000, $0x38;
	[tilespmem:$0x8200] =	vst v63  }
0xf9: {  	_ =	swait.ge [sflag:s16], $0x2000  }
0xfa: {  	[sflag:s16] =	ssyncset.done $0x0  }
0xfb: {  	[sflag:s16] =	ssyncadd.s32 $0xFFFFE000  }
0xfc: {  	[tilespmem:s12], [sflag:$0x1] =	stream.indirect.gather [hbm4b:s3+s8], $0x40, s7, s8, $0xb8;
	[tilespmem:$0x8200] =	vst v63  }
0xfd: {  	_ =	swait.ge [sflag:s17], $0x2000  }
0xfe: {  	[sflag:s17] =	ssyncset.done $0x0  }
0xff: {  	s23 =	rddreg [dreg:$0xc];
	[sflag:s17] =	ssyncadd.s32 $0xFFFFE000  }
0x100: {  	[hbm4b:s23+s7] =	stream.linear.scatter [tilespmem:s13], [sflag:$0x6], $0x2000, $0x38;
	[tilespmem:$0x8200] =	vst v63  }
0x101: {  	_ =	swait.ge [sflag:s18], $0x2000  }
0x102: {  	[sflag:s18] =	ssyncset.done $0x0  }
0x103: {  	[sflag:s18] =	ssyncadd.s32 $0xFFFFE000  }
0x104: {  	[tilespmem:s13], [sflag:$0x2] =	stream.indirect.gather [hbm4b:s3+s8], $0x40, s8, s8, $0xb8;
	[tilespmem:$0x8200] =	vst v63  }
0x105: {  	_ =	swait.ge [sflag:s19], $0x2000  }
0x106: {  	[sflag:s19] =	ssyncset.done $0x0  }
0x107: {  	s23 =	rddreg [dreg:$0xd];
	[sflag:s19] =	ssyncadd.s32 $0xFFFFE000  }
0x108: {  	[hbm4b:s23+s7] =	stream.linear.scatter [tilespmem:s14], [sflag:$0x7], $0x2000, $0x38;
	[tilespmem:$0x8200] =	vst v63  }
0x109: {  	_ =	swait.ge [sflag:s20], $0x2000  }
0x10a: {  	[sflag:s20] =	ssyncset.done $0x0  }
0x10b: {  	[sflag:s20] =	ssyncadd.s32 $0xFFFFE000  }
0x10c: {  	[tilespmem:s14], [sflag:$0x3] =	stream.indirect.gather [hbm4b:s3+s8], $0x40, s9, s8, $0xb8;
	[tilespmem:$0x8200] =	vst v63  }
0x10d: {  	_ =	swait.ge [sflag:s21], $0x2000  }
0x10e: {  	[sflag:s21] =	ssyncset.done $0x0  }
0x10f: {  	s23 =	rddreg [dreg:$0xe];
	[sflag:s21] =	ssyncadd.s32 $0xFFFFE000  }
0x110: {  	[hbm4b:s23+s7] =	stream.linear.scatter [tilespmem:s15], [sflag:$0x8], $0x2000, $0x38;
	[tilespmem:$0x8200] =	vst v63  }
0x111: {  	_ =	swait.ge [sflag:s22], $0x2000  }
0x112: {  	[sflag:s22] =	ssyncset.done $0x0  }
0x113: {  	[sflag:s22] =	ssyncadd.s32 $0xFFFFE000  }
0x114: {  	[tilespmem:s15], [sflag:$0x4] =	stream.indirect.gather [hbm4b:s3+s8], $0x40, s10, s8, $0xb8;
	[tilespmem:$0x8200] =	vst v63  }
0x115: {  	_ =	swait.ge [sflag:s11], $0x2000  }
0x116: {  	[sflag:s11] =	ssyncset.done $0x0  }
0x117: {  	s23 =	rddreg [dreg:$0xf];
	[sflag:s11] =	ssyncadd.s32 $0xFFFFE000  }
0x118: {  	[hbm4b:s23+s7] =	stream.linear.scatter [tilespmem:s12], [sflag:$0x5], $0x2000, $0x38;
	[tilespmem:$0x8200] =	vst v63  }
0x119: {  	_ =	swait.ge [sflag:s16], $0x2000  }
0x11a: {  	[sflag:s16] =	ssyncset.done $0x0  }
0x11b: {  	[sflag:s16] =	ssyncadd.s32 $0xFFFFE000  }
0x11c: {  	[tilespmem:s12], [sflag:$0x1] =	stream.indirect.gather [hbm4b:s4+s8], $0x40, s7, s8, $0xb8;
	[tilespmem:$0x8200] =	vst v63  }
0x11d: {  	_ =	swait.ge [sflag:s17], $0x2000  }
0x11e: {  	[sflag:s17] =	ssyncset.done $0x0  }
0x11f: {  	s23 =	rddreg [dreg:$0x10];
	[sflag:s17] =	ssyncadd.s32 $0xFFFFE000  }
0x120: {  	[hbm4b:s23+s7] =	stream.linear.scatter [tilespmem:s13], [sflag:$0x6], $0x2000, $0x38;
	[tilespmem:$0x8200] =	vst v63  }
0x121: {  	_ =	swait.ge [sflag:s18], $0x2000  }
0x122: {  	[sflag:s18] =	ssyncset.done $0x0  }
0x123: {  	[sflag:s18] =	ssyncadd.s32 $0xFFFFE000  }
0x124: {  	[tilespmem:s13], [sflag:$0x2] =	stream.indirect.gather [hbm4b:s4+s8], $0x40, s8, s8, $0xb8;
	[tilespmem:$0x8200] =	vst v63  }
0x125: {  	_ =	swait.ge [sflag:s19], $0x2000  }
0x126: {  	[sflag:s19] =	ssyncset.done $0x0  }
0x127: {  	s23 =	rddreg [dreg:$0x11];
	[sflag:s19] =	ssyncadd.s32 $0xFFFFE000  }
0x128: {  	[hbm4b:s23+s7] =	stream.linear.scatter [tilespmem:s14], [sflag:$0x7], $0x2000, $0x38;
	[tilespmem:$0x8200] =	vst v63  }
0x129: {  	_ =	swait.ge [sflag:s20], $0x2000  }
0x12a: {  	[sflag:s20] =	ssyncset.done $0x0  }
0x12b: {  	[sflag:s20] =	ssyncadd.s32 $0xFFFFE000  }
0x12c: {  	[tilespmem:s14], [sflag:$0x3] =	stream.indirect.gather [hbm4b:s4+s8], $0x40, s9, s8, $0xb8;
	[tilespmem:$0x8200] =	vst v63  }
0x12d: {  	_ =	swait.ge [sflag:s21], $0x2000  }
0x12e: {  	[sflag:s21] =	ssyncset.done $0x0  }
0x12f: {  	s23 =	rddreg [dreg:$0x12];
	[sflag:s21] =	ssyncadd.s32 $0xFFFFE000  }
0x130: {  	[hbm4b:s23+s7] =	stream.linear.scatter [tilespmem:s15], [sflag:$0x8], $0x2000, $0x38;
	[tilespmem:$0x8200] =	vst v63  }
0x131: {  	_ =	swait.ge [sflag:s22], $0x2000  }
0x132: {  	[sflag:s22] =	ssyncset.done $0x0  }
0x133: {  	[sflag:s22] =	ssyncadd.s32 $0xFFFFE000  }
0x134: {  	[tilespmem:s15], [sflag:$0x4] =	stream.indirect.gather [hbm4b:s4+s8], $0x40, s10, s8, $0xb8;
	[tilespmem:$0x8200] =	vst v63  }
0x135: {  	_ =	swait.ge [sflag:s11], $0x2000  }
0x136: {  	[sflag:s11] =	ssyncset.done $0x0  }
0x137: {  	s23 =	rddreg [dreg:$0x13];
	[sflag:s11] =	ssyncadd.s32 $0xFFFFE000  }
0x138: {  	[hbm4b:s23+s7] =	stream.linear.scatter [tilespmem:s12], [sflag:$0x5], $0x2000, $0x38;
	[tilespmem:$0x8200] =	vst v63  }
0x139: {  	_ =	swait.ge [sflag:s16], $0x2000  }
0x13a: {  	[sflag:s16] =	ssyncset.done $0x0  }
0x13b: {  	[sflag:s16] =	ssyncadd.s32 $0xFFFFE000  }
0x13c: {  	[tilespmem:s12], [sflag:$0x1] =	stream.indirect.gather [hbm4b:s5+s8], $0x40, s7, s8, $0xb8;
	[tilespmem:$0x8200] =	vst v63  }
0x13d: {  	_ =	swait.ge [sflag:s17], $0x2000  }
0x13e: {  	[sflag:s17] =	ssyncset.done $0x0  }
0x13f: {  	s23 =	rddreg [dreg:$0x14];
	[sflag:s17] =	ssyncadd.s32 $0xFFFFE000  }
0x140: {  	[hbm4b:s23+s7] =	stream.linear.scatter [tilespmem:s13], [sflag:$0x6], $0x2000, $0x38;
	[tilespmem:$0x8200] =	vst v63  }
0x141: {  	_ =	swait.ge [sflag:s18], $0x2000  }
0x142: {  	[sflag:s18] =	ssyncset.done $0x0  }
0x143: {  	[sflag:s18] =	ssyncadd.s32 $0xFFFFE000  }
0x144: {  	[tilespmem:s13], [sflag:$0x2] =	stream.indirect.gather [hbm4b:s5+s8], $0x40, s8, s8, $0xb8;
	[tilespmem:$0x8200] =	vst v63  }
0x145: {  	_ =	swait.ge [sflag:s19], $0x2000  }
0x146: {  	[sflag:s19] =	ssyncset.done $0x0  }
0x147: {  	s23 =	rddreg [dreg:$0x15];
	[sflag:s19] =	ssyncadd.s32 $0xFFFFE000  }
0x148: {  	[hbm4b:s23+s7] =	stream.linear.scatter [tilespmem:s14], [sflag:$0x7], $0x2000, $0x38;
	[tilespmem:$0x8200] =	vst v63  }
0x149: {  	_ =	swait.ge [sflag:s20], $0x2000  }
0x14a: {  	[sflag:s20] =	ssyncset.done $0x0  }
0x14b: {  	[sflag:s20] =	ssyncadd.s32 $0xFFFFE000  }
0x14c: {  	[tilespmem:s14], [sflag:$0x3] =	stream.indirect.gather [hbm4b:s5+s8], $0x40, s9, s8, $0xb8;
	[tilespmem:$0x8200] =	vst v63  }
0x14d: {  	_ =	swait.ge [sflag:s21], $0x2000  }
0x14e: {  	[sflag:s21] =	ssyncset.done $0x0  }
0x14f: {  	s23 =	rddreg [dreg:$0x16];
	[sflag:s21] =	ssyncadd.s32 $0xFFFFE000  }
0x150: {  	[hbm4b:s23+s7] =	stream.linear.scatter [tilespmem:s15], [sflag:$0x8], $0x2000, $0x38;
	[tilespmem:$0x8200] =	vst v63  }
0x151: {  	_ =	swait.ge [sflag:s22], $0x2000  }
0x152: {  	[sflag:s22] =	ssyncset.done $0x0  }
0x153: {  	[sflag:s22] =	ssyncadd.s32 $0xFFFFE000  }
0x154: {  	[tilespmem:s15], [sflag:$0x4] =	stream.indirect.gather [hbm4b:s5+s8], $0x40, s10, s8, $0xb8;
	[tilespmem:$0x8200] =	vst v63  }
0x155: {  	_ =	swait.ge [sflag:s11], $0x2000  }
0x156: {  	[sflag:s11] =	ssyncset.done $0x0  }
0x157: {  	s23 =	rddreg [dreg:$0x17];
	[sflag:s11] =	ssyncadd.s32 $0xFFFFE000  }
0x158: {  	[hbm4b:s23+s7] =	stream.linear.scatter [tilespmem:s12], [sflag:$0x5], $0x2000, $0x38;
	[tilespmem:$0x8200] =	vst v63  }
0x159: {  	_ =	swait.ge [sflag:s16], $0x2000  }
0x15a: {  	[sflag:s16] =	ssyncset.done $0x0  }
0x15b: {  	[sflag:s16] =	ssyncadd.s32 $0xFFFFE000  }
0x15c: {  	[tilespmem:s12], [sflag:$0x1] =	stream.indirect.gather [hbm4b:s6+s8], $0x40, s7, s8, $0xb8;
	[tilespmem:$0x8200] =	vst v63  }
0x15d: {  	_ =	swait.ge [sflag:s17], $0x2000  }
0x15e: {  	[sflag:s17] =	ssyncset.done $0x0  }
0x15f: {  	[sflag:s17] =	ssyncadd.s32 $0xFFFFE000  }
0x160: {  	[hbm4b:s24+s7] =	stream.linear.scatter [tilespmem:s13], [sflag:$0x6], $0x2000, $0x38;
	[tilespmem:$0x8200] =	vst v63  }
0x161: {  	_ =	swait.ge [sflag:s18], $0x2000  }
0x162: {  	[sflag:s18] =	ssyncset.done $0x0  }
0x163: {  	[sflag:s18] =	ssyncadd.s32 $0xFFFFE000  }
0x164: {  	[tilespmem:s13], [sflag:$0x2] =	stream.indirect.gather [hbm4b:s6+s8], $0x40, s8, s8, $0xb8;
	[tilespmem:$0x8200] =	vst v63  }
0x165: {  	_ =	swait.ge [sflag:s19], $0x2000  }
0x166: {  	[sflag:s19] =	ssyncset.done $0x0  }
0x167: {  	[sflag:s19] =	ssyncadd.s32 $0xFFFFE000  }
0x168: {  	[hbm4b:s25+s7] =	stream.linear.scatter [tilespmem:s14], [sflag:$0x7], $0x2000, $0x38;
	[tilespmem:$0x8200] =	vst v63  }
0x169: {  	_ =	swait.ge [sflag:s20], $0x2000  }
0x16a: {  	[sflag:s20] =	ssyncset.done $0x0  }
0x16b: {  	[sflag:s20] =	ssyncadd.s32 $0xFFFFE000  }
0x16c: {  	[tilespmem:s14], [sflag:$0x3] =	stream.indirect.gather [hbm4b:s6+s8], $0x40, s9, s8, $0xb8;
	[tilespmem:$0x8200] =	vst v63  }
0x16d: {  	_ =	swait.ge [sflag:s21], $0x2000  }
0x16e: {  	[sflag:s21] =	ssyncset.done $0x0  }
0x16f: {  	[sflag:s21] =	ssyncadd.s32 $0xFFFFE000  }
0x170: {  	[hbm4b:s26+s7] =	stream.linear.scatter [tilespmem:s15], [sflag:$0x8], $0x2000, $0x38;
	[tilespmem:$0x8200] =	vst v63  }
0x171: {  	_ =	swait.ge [sflag:s22], $0x2000  }
0x172: {  	[sflag:s22] =	ssyncset.done $0x0  }
0x173: {  	[sflag:s22] =	ssyncadd.s32 $0xFFFFE000  }
0x174: {  	[tilespmem:s15], [sflag:$0x4] =	stream.indirect.gather [hbm4b:s6+s8], $0x40, s10, s8, $0xb8;
	[tilespmem:$0x8200] =	vst v63  }
0x175: {  	_ =	swait.ge [sflag:s11], $0x2000  }
0x176: {  	[sflag:s11] =	ssyncset.done $0x0  }
0x177: {  	[sflag:s11] =	ssyncadd.s32 $0xFFFFE000  }
0x178: {  	[hbm4b:s28+s7] =	stream.linear.scatter [tilespmem:s12], [sflag:$0x5], $0x2000, $0x38;
	[tilespmem:$0x8200] =	vst v63  }
0x179: {  	_ =	swait.ge [sflag:s17], $0x2000  }
0x17a: {  	[sflag:s17] =	ssyncset.done $0x0  }
0x17b: {  	[sflag:s17] =	ssyncadd.s32 $0xFFFFE000  }
0x17c: {  	[hbm4b:s29+s7] =	stream.linear.scatter [tilespmem:s13], [sflag:$0x6], $0x2000, $0x38;
	[tilespmem:$0x8200] =	vst v63  }
0x17d: {  	_ =	swait.ge [sflag:s19], $0x2000  }
0x17e: {  	[sflag:s19] =	ssyncset.done $0x0  }
0x17f: {  	[sflag:s19] =	ssyncadd.s32 $0xFFFFE000  }
0x180: {  	[hbm4b:s30+s7] =	stream.linear.scatter [tilespmem:s14], [sflag:$0x7], $0x2000, $0x38;
	[tilespmem:$0x8200] =	vst v63  }
0x181: {  	_ =	swait.ge [sflag:s21], $0x2000  }
0x182: {  	[sflag:s21] =	ssyncset.done $0x0  }
0x183: {  	[sflag:s21] =	ssyncadd.s32 $0xFFFFE000  }
0x184: {  	[hbm4b:s31+s7] =	stream.linear.scatter [tilespmem:s15], [sflag:$0x8], $0x2000, $0x38;
	[tilespmem:$0x8200] =	vst v63  }
0x185: {  	_ =	swait.ge [sflag:s16], $0x2000  }
0x186: {  	[sflag:s16] =	ssyncset.done $0x0  }
0x187: {  	[sflag:s16] =	ssyncadd.s32 $0xFFFFE000  }
0x188: {  	_ =	swait.ge [sflag:s18], $0x2000  }
0x189: {  	p0 =	sne.s32 s0, $0x1;
	[sflag:s18] =	ssyncset.done $0x0  }
.Ltmp1:
0x18a: {  	[sflag:s18] =	ssyncadd.s32 $0xFFFFE000;
	(pc) =	sbr.rel @p0 .LBB2_1-.Ltmp1, $4  }
0x18b: {  	_ =	swait.ge [sflag:s20], $0x2000  }
0x18c: {  	[sflag:s20] =	ssyncset.done $0x0  }
0x18d: {  	[sflag:s20] =	ssyncadd.s32 $0xFFFFE000  }
0x18e: {  	s0 =	sadd.s32 $0xFFFFFFFF, s0;
	_ =	swait.ge [sflag:s22], $0x2000  }
.LBB2_2:
0x18f: {  	[sflag:s22] =	ssyncset.done $0x0  }
0x190: {  	[sflag:s22] =	ssyncadd.s32 $0xFFFFE000  }
0x191: {  	_ =	sfence.sel $0x180000  }
0x192: {  	[bflag:$0x0] =	sbarrier.arrive $0xFFFF  }
0x193: {  	_ =	strace $0x9000004A  }
0x194: {  	s0 =	stileid.u32;
	[bflag:$0x2] =	sbarrier.arrive $0xFFFF  }
0x195: {  	p0 =	sne.s32 s0, $0x0;
	s0 =	rddreg [dreg:$0x6]  }
0x196: {  	s0 =	sadd.s32 @!p0 $0x100000, s0  }
0x197: {  	[sflag:s0] =	ssyncadd.tile.s32 @!p0 $0x1;
	_ =	shalt  }
.Lfunc_end2:
_tile_overlayer_lowered:
.L_overlay_start_2:
0x198: {  	(tag) =	ssettag $0x2  }
0x199: {  	s0 =	rddreg [dreg:$0x0];
	s2 =	stileid.u32  }
0x19a: {  	s1 =	rddreg [dreg:$0x1];
	p0 =	sne.s32 s2, $0x0  }
0x19b: {  	s3 =	rddreg [dreg:$0x2];
	[bflag:$0x3] =	sbarrier.arrive $0xFFFF;
	s2 =	simm.s32 @!p0 $0x1C09  }
0x19c: {  	[timem:s3], [sflag:s2] =	dma.local @!p0 [hbm:s0], s1  }
0x19d: {  	s0 =	simm.s32 @!p0 $0x9  }
0x19e: {  	_ =	swait.ge @!p0 [sflag:s0], s1  }
0x19f: {  	s1 =	ssub.s32 @!p0 $0x0, s1;
	[sflag:s0] =	ssyncset.done @!p0 $0x0  }
0x1a0: {  	[sflag:s0] =	ssyncadd.s32 @!p0 s1  }
0x1a1: {  	[bflag:$0x3] =	sbarrier.arrive $0xFFFF  }
0x1a2: {  	_ =	shalt  }

</sc_bundles>
